<compile_context>
chip_gen: v7x
topology: tpu7x:2x2x1
jax: 0.10.2.dev20260603
libtpu: 0.0.44.dev20260713+nightly
codegen_flags: <defaults>
</compile_context>

<pallas_src>
import functools

import jax
import jax.numpy as jnp
from jax import lax
from jax.experimental import pallas as pl
from jax.experimental.pallas import tpu as pltpu
from jax.experimental.pallas import tpu_sc as plsc

ALPHA = 0.5
NC = 2
NS = 16
L = 16



def _hist_body(edges_hbm, zeros_hbm, out_hbm,
               local, idxbuf, tmp, accb, shared, n_pad, ept):
    c = lax.axis_index("c")
    s = lax.axis_index("s")
    e = ept * NS
    seg = n_pad // NS
    pltpu.sync_copy(edges_hbm.at[pl.ds(c * e + s * ept, ept)], idxbuf)
    pltpu.sync_copy(zeros_hbm, local)

    ones = jnp.full((L,), 1.0, jnp.float32)

    def body(i, carry):
        idxv = idxbuf[pl.ds(i * L, L)]
        plsc.addupdate_scatter(local, [idxv], ones)
        return carry

    lax.fori_loop(0, ept // L, body, 0)

    pltpu.sync_copy(local, shared.at[pl.ds(s * n_pad, n_pad)])
    plsc.subcore_barrier()

    pltpu.sync_copy(zeros_hbm.at[pl.ds(0, seg)], accb)
    for k in range(NS):
        pltpu.sync_copy(shared.at[pl.ds(k * n_pad + s * seg, seg)], tmp)

        def addk(j, carry):
            sl = pl.ds(j * L, L)
            accb[sl] = accb[sl] + tmp[sl]
            return carry

        lax.fori_loop(0, seg // L, addk, 0)

    pltpu.sync_copy(accb, out_hbm.at[pl.ds(c * n_pad + s * seg, seg)])


def _make_hist(n_pad, e):
    ept = e // NS
    seg = n_pad // NS
    return pl.kernel(
        functools.partial(_hist_body, n_pad=n_pad, ept=ept),
        out_type=jax.ShapeDtypeStruct((NC * n_pad,), jnp.float32),
        mesh=plsc.VectorSubcoreMesh(
            core_axis_name="c", subcore_axis_name="s",
            num_cores=NC, num_subcores=NS),
        compiler_params=pltpu.CompilerParams(needs_layout_passes=False),
        scratch_types=[
            pltpu.VMEM((n_pad,), jnp.float32),
            pltpu.VMEM((e // NS,), jnp.int32),
            pltpu.VMEM((seg,), jnp.float32),
            pltpu.VMEM((seg,), jnp.float32),
            pltpu.VMEM_SHARED((NS * n_pad,), jnp.float32),
        ],
    )



_C = 128


def _scatter_body(gidx_hbm, sidx_hbm, feat_hbm, zeros_hbm, out_hbm,
                  g0, s0, buf0, sem0, acc,
                  n_pad, chunks):
    c = lax.axis_index("c")
    s = lax.axis_index("s")
    rpt = n_pad // NS
    base = (c * NS + s) * chunks * _C
    pltpu.sync_copy(zeros_hbm, acc.at[pl.ds(s * rpt, rpt)])
    plsc.subcore_barrier()

    def load_idx(j, gv, sv):
        pltpu.sync_copy(gidx_hbm.at[pl.ds(base + j * _C, _C)], gv)
        pltpu.sync_copy(sidx_hbm.at[pl.ds(base + j * _C, _C)], sv)

    def body(k, carry):
        load_idx(k, g0, s0)
        pltpu.async_copy(feat_hbm.at[g0], buf0, sem0).wait()
        pltpu.sync_copy(buf0, acc.at[s0], add=True)
        return carry

    lax.fori_loop(0, chunks, body, 0)

    plsc.subcore_barrier()
    pltpu.sync_copy(acc.at[pl.ds(s * rpt, rpt)],
                    out_hbm.at[c, pl.ds(s * rpt, rpt)])


def _make_scatter(n_pad, d, chunks):
    return pl.kernel(
        functools.partial(_scatter_body, n_pad=n_pad, chunks=chunks),
        out_type=jax.ShapeDtypeStruct((NC, n_pad, d), jnp.float32),
        mesh=plsc.VectorSubcoreMesh(
            core_axis_name="c", subcore_axis_name="s",
            num_cores=NC, num_subcores=NS),
        compiler_params=pltpu.CompilerParams(needs_layout_passes=False),
        scratch_types=[
            pltpu.VMEM((_C,), jnp.int32),
            pltpu.VMEM((_C,), jnp.int32),
            pltpu.VMEM((_C, d), jnp.float32),
            pltpu.SemaphoreType.DMA,
            pltpu.VMEM_SHARED((n_pad, d), jnp.float32),
        ],
    )




def _inv_block(deg):
    return jnp.where(deg > 0.0, lax.rsqrt(jnp.maximum(deg, 1e-30)), 0.0)


def _tc_transform_body(x_ref, ws_ref, wd_ref, od_ref, id_ref, out_ref):
    xb = x_ref[...]
    ii = _inv_block(id_ref[...])
    oi = _inv_block(od_ref[...])
    dn = (((1,), (1,)), ((), ()))
    fs = ALPHA * lax.dot_general(xb, ws_ref[...], dn,
                                 preferred_element_type=jnp.float32,
                                 precision=lax.Precision.HIGHEST)
    fd = (1.0 - ALPHA) * lax.dot_general(xb, wd_ref[...], dn,
                                         preferred_element_type=jnp.float32,
                                         precision=lax.Precision.HIGHEST)
    out_ref[0] = ii * fs
    out_ref[1] = oi * fd


def _tc_combine_body(p_ref, od_ref, id_ref, bs_ref, bd_ref, out_ref):
    oi = _inv_block(od_ref[...])
    ii = _inv_block(id_ref[...])
    bias = ALPHA * bs_ref[...] + (1.0 - ALPHA) * bd_ref[...]
    out_ref[...] = oi * p_ref[0] + ii * p_ref[1] + bias




def kernel(x, edge_index, W_src, b_src, W_dst, b_dst):
    n, d_in = x.shape
    d_out = W_src.shape[0]
    e = edge_index.shape[1]
    n_pad = -(-n // (NS * L)) * (NS * L)
    assert e % (NS * L) == 0

    row = edge_index[0]
    col = edge_index[1]

    zeros_h = jnp.zeros((n_pad,), jnp.float32)
    deg = _make_hist(n_pad, e)(edge_index.reshape(2 * e), zeros_h)
    od = deg[0:n].reshape(n, 1)
    idg = deg[n_pad:n_pad + n].reshape(n, 1)

    B = 2000
    feat = pl.pallas_call(
        _tc_transform_body,
        grid=(n // B,),
        in_specs=[
            pl.BlockSpec((B, d_in), lambda i: (i, 0)),
            pl.BlockSpec((d_out, d_in), lambda i: (0, 0)),
            pl.BlockSpec((d_out, d_in), lambda i: (0, 0)),
            pl.BlockSpec((B, 1), lambda i: (i, 0)),
            pl.BlockSpec((B, 1), lambda i: (i, 0)),
        ],
        out_specs=pl.BlockSpec((2, B, d_out), lambda i: (0, i, 0)),
        out_shape=jax.ShapeDtypeStruct((2, n, d_out), jnp.float32),
    )(x, W_src, W_dst, od, idg)
    feat_flat = feat.reshape(2 * n, d_out)

    chunks = -(-e // (NS * _C))
    ep = chunks * _C * NS
    pad = ep - e
    pad_g = jnp.zeros((pad,), jnp.int32)
    pad_s = jnp.full((pad,), n, jnp.int32)
    gidx = jnp.stack([jnp.concatenate([col, pad_g]),
                      jnp.concatenate([row + n, pad_g])])
    sidx = jnp.stack([jnp.concatenate([row, pad_s]),
                      jnp.concatenate([col, pad_s])])
    gidx = gidx.reshape(NC * NS * chunks * _C)
    sidx = sidx.reshape(NC * NS * chunks * _C)
    zeros_f = jnp.zeros((n_pad // NS, d_out), jnp.float32)
    part = _make_scatter(n_pad, d_out, chunks)(gidx, sidx, feat_flat, zeros_f)

    out = pl.pallas_call(
        _tc_combine_body,
        grid=(n // B,),
        in_specs=[
            pl.BlockSpec((2, B, d_out), lambda i: (0, i, 0)),
            pl.BlockSpec((B, 1), lambda i: (i, 0)),
            pl.BlockSpec((B, 1), lambda i: (i, 0)),
            pl.BlockSpec((1, d_out), lambda i: (0, 0)),
            pl.BlockSpec((1, d_out), lambda i: (0, 0)),
        ],
        out_specs=pl.BlockSpec((B, d_out), lambda i: (i, 0)),
        out_shape=jax.ShapeDtypeStruct((n, d_out), jnp.float32),
    )(part, od, idg, b_src.reshape(1, d_out), b_dst.reshape(1, d_out))
    return out

# --- scband reference (transcript-rebuilt; emitter-appended) ---
"""Pipeline reference for scband-dir-gcnconv-74861279969844 (READ-ONLY COPY).

The authoritative reference and input builder live on the scoring server;
editing this copy changes nothing except your own understanding.
"""

import jax, jax.numpy as jnp
import numpy as np

N = 10000
E = 320000
D_IN = 128
D_OUT = 128
ALPHA = 0.5


def setup_inputs(seed: int = 0) -> dict:
    key = jax.random.key(seed)
    k1, k2, k3, k4, k5, k6 = jax.random.split(key, 6)
    x = jax.random.normal(k1, (N, D_IN), dtype=jnp.float32)
    edge_index = jax.random.randint(k2, (2, E), 0, N, dtype=jnp.int32)
    bound = 1.0 / np.sqrt(D_IN)
    W_src = jax.random.uniform(k3, (D_OUT, D_IN), minval=-bound, maxval=bound, dtype=jnp.float32)
    b_src = jax.random.uniform(k4, (D_OUT,), minval=-bound, maxval=bound, dtype=jnp.float32)
    W_dst = jax.random.uniform(k5, (D_OUT, D_IN), minval=-bound, maxval=bound, dtype=jnp.float32)
    b_dst = jax.random.uniform(k6, (D_OUT,), minval=-bound, maxval=bound, dtype=jnp.float32)
    return {"x": x, "edge_index": edge_index, "W_src": W_src, "b_src": b_src, "W_dst": W_dst, "b_dst": b_dst}


def _inv_sqrt(deg):
    # pow(-0.5) then masked_fill(inf -> 0)
    return jnp.where(deg > 0, jax.lax.rsqrt(jnp.maximum(deg, 1e-30)), 0.0)


def _dir_norm_spmm(row, col, x, num_nodes):
    # directed norm: D_out^{-1/2} A D_in^{-1/2}, values of A are 1
    out_deg = jax.ops.segment_sum(jnp.ones_like(row, dtype=jnp.float32), row, num_segments=num_nodes)
    in_deg = jax.ops.segment_sum(jnp.ones_like(col, dtype=jnp.float32), col, num_segments=num_nodes)
    out_inv = _inv_sqrt(out_deg)
    in_inv = _inv_sqrt(in_deg)
    vals = out_inv[row] * in_inv[col]
    # (adj_norm @ x)[i] = sum over edges e with row_e == i of vals_e * x[col_e]
    msg = vals[:, None] * jnp.take(x, col, axis=0)
    return jax.ops.segment_sum(msg, row, num_segments=num_nodes)


def reference(x, edge_index, W_src, b_src, W_dst, b_dst):
    row = edge_index[0]
    col = edge_index[1]
    num_nodes = x.shape[0]
    # adj = SparseTensor(row=row, col=col); adj_norm @ x
    agg_src_to_dst = _dir_norm_spmm(row, col, x, num_nodes)
    # adj_t = SparseTensor(row=col, col=row); adj_t_norm @ x
    agg_dst_to_src = _dir_norm_spmm(col, row, x, num_nodes)
    y_src = agg_src_to_dst @ W_src.T + b_src
    y_dst = agg_dst_to_src @ W_dst.T + b_dst
    return ALPHA * y_src + (1.0 - ALPHA) * y_dst

if __name__ == "__main__":
    import jax
    _d = setup_inputs()
    print(jax.jit(kernel)(*tuple(_d.values())))

</pallas_src>

<mosaic_0001>
#map = affine_map<(d0, d1) -> (0)>
module attributes {stable_mosaic.version = 14 : i64} {
  func.func @_hist_body(%arg0: i32, %arg1: i32, %arg2: memref<640000xi32, #tpu.memory_space<hbm>>, %arg3: memref<10240xf32, #tpu.memory_space<hbm>>, %arg4: memref<20480xf32, #tpu.memory_space<hbm>>, %arg5: memref<10240xf32, #tpu.memory_space<vmem>>, %arg6: memref<20000xi32, #tpu.memory_space<vmem>>, %arg7: memref<640xf32, #tpu.memory_space<vmem>>, %arg8: memref<640xf32, #tpu.memory_space<vmem>>, %arg9: memref<163840xf32, #tpu.memory_space<vmem_shared>>) attributes {dimension_semantics = [#tpu.dimension_semantics<core_parallel>, #tpu.dimension_semantics<subcore_parallel>], iteration_bounds = array<i64: 2, 16>, scalar_prefetch = 0 : i64, scratch_operands = 5 : i64, tpu.core_type = #tpu.core_type<sc_vector_subcore>, window_params = [{transform_indices = #map}, {transform_indices = #map}, {transform_indices = #map}]} {
    %mul3A = arith.constant 320000 : i32
    %mul3A_0 = arith.muli %arg0, %mul3A : i32
    %mul3A_1 = arith.constant 20000 : i32
    %mul3A_2 = arith.muli %arg1, %mul3A_1 : i32
    %add3A = arith.addi %mul3A_0, %mul3A_2 : i32
    "tpu.region"() ({
      %run_scoped3A = tpu.sem_alloc : memref<!tpu.dma_semaphore, #tpu.memory_space<semaphore_mem>>
      %dma_start3A = tpu.memref_slice %arg2[%add3A] : memref<640000xi32, #tpu.memory_space<hbm>> -> memref<20000xi32, #tpu.memory_space<hbm>>
      %dma_start3A_176 = tpu.memref_slice %arg2[%add3A] : memref<640000xi32, #tpu.memory_space<hbm>> -> memref<20000xi32, #tpu.memory_space<hbm>>
      tpu.enqueue_dma source(%dma_start3A_176 : memref<20000xi32, #tpu.memory_space<hbm>>) target(%arg6 : memref<20000xi32, #tpu.memory_space<vmem>>) target_semaphore(%run_scoped3A : memref<!tpu.dma_semaphore, #tpu.memory_space<semaphore_mem>>)
      %dma_wait3A = tpu.memref_slice %arg2[%add3A] : memref<640000xi32, #tpu.memory_space<hbm>> -> memref<20000xi32, #tpu.memory_space<hbm>>
      %dma_wait3A_177 = tpu.memref_slice %arg2[%add3A] : memref<640000xi32, #tpu.memory_space<hbm>> -> memref<20000xi32, #tpu.memory_space<hbm>>
      tpu.wait_dma2 semaphore(%run_scoped3A : memref<!tpu.dma_semaphore, #tpu.memory_space<semaphore_mem>>) src(%dma_wait3A_177 : memref<20000xi32, #tpu.memory_space<hbm>>) dst(%arg6 : memref<20000xi32, #tpu.memory_space<vmem>>)
      tpu.yield
    }) : () -> ()
    "tpu.region"() ({
      %run_scoped3A = tpu.sem_alloc : memref<!tpu.dma_semaphore, #tpu.memory_space<semaphore_mem>>
      tpu.enqueue_dma source(%arg3 : memref<10240xf32, #tpu.memory_space<hbm>>) target(%arg5 : memref<10240xf32, #tpu.memory_space<vmem>>) target_semaphore(%run_scoped3A : memref<!tpu.dma_semaphore, #tpu.memory_space<semaphore_mem>>)
      tpu.wait_dma2 semaphore(%run_scoped3A : memref<!tpu.dma_semaphore, #tpu.memory_space<semaphore_mem>>) src(%arg3 : memref<10240xf32, #tpu.memory_space<hbm>>) dst(%arg5 : memref<10240xf32, #tpu.memory_space<vmem>>)
      tpu.yield
    }) : () -> ()
    %broadcast_in_dim3A = arith.constant 1.000000e+00 : f32
    %broadcast_in_dim3A_3 = vector.broadcast %broadcast_in_dim3A : f32 to vector<16xf32>
    %scan3A = arith.constant 0 : i32
    %scan3A_4 = arith.constant 0 : i32
    %scan3A_5 = arith.constant 1250 : i32
    %scan3A_6 = arith.addi %scan3A_4, %scan3A_5 : i32
    %scan3A_7 = arith.constant 1 : i32
    scf.for %scan3A_176 = %scan3A_4 to %scan3A_6 step %scan3A_7  : i32 {
      %mul3A_177 = arith.constant 16 : i32
      %mul3A_178 = arith.muli %scan3A_176, %mul3A_177 : i32
      %get3A = arith.index_cast %mul3A_178 : i32 to index
      %get3A_179 = tpu.vector_load %arg6[%get3A] {strides = array<i32>} : memref<20000xi32, #tpu.memory_space<vmem>>, vector<16xi32>,
      tpu.vector_store_idx %arg5[%get3A_179], %broadcast_in_dim3A_3 {add = true} : memref<10240xf32, #tpu.memory_space<vmem>>[vector<16xi32>], vector<16xf32>,
    }
    %scan3A_8 = arith.constant 1250 : i32
    %mul3A_9 = arith.constant 10240 : i32
    %mul3A_10 = arith.muli %arg1, %mul3A_9 : i32
    "tpu.region"() ({
      %run_scoped3A = tpu.sem_alloc : memref<!tpu.dma_semaphore, #tpu.memory_space<semaphore_mem>>
      %dma_start3A = tpu.memref_slice %arg9[%mul3A_10] : memref<163840xf32, #tpu.memory_space<vmem_shared>> -> memref<10240xf32, #tpu.memory_space<vmem_shared>>
      %dma_start3A_176 = tpu.memref_slice %arg9[%mul3A_10] : memref<163840xf32, #tpu.memory_space<vmem_shared>> -> memref<10240xf32, #tpu.memory_space<vmem_shared>>
      tpu.enqueue_dma source(%arg5 : memref<10240xf32, #tpu.memory_space<vmem>>) target(%dma_start3A_176 : memref<10240xf32, #tpu.memory_space<vmem_shared>>) target_semaphore(%run_scoped3A : memref<!tpu.dma_semaphore, #tpu.memory_space<semaphore_mem>>)
      %dma_wait3A = tpu.memref_slice %arg9[%mul3A_10] : memref<163840xf32, #tpu.memory_space<vmem_shared>> -> memref<10240xf32, #tpu.memory_space<vmem_shared>>
      %dma_wait3A_177 = tpu.memref_slice %arg9[%mul3A_10] : memref<163840xf32, #tpu.memory_space<vmem_shared>> -> memref<10240xf32, #tpu.memory_space<vmem_shared>>
      tpu.wait_dma2 semaphore(%run_scoped3A : memref<!tpu.dma_semaphore, #tpu.memory_space<semaphore_mem>>) src(%arg5 : memref<10240xf32, #tpu.memory_space<vmem>>) dst(%dma_wait3A_177 : memref<10240xf32, #tpu.memory_space<vmem_shared>>)
      tpu.yield
    }) : () -> ()
    %barrier3A = arith.constant 0 : index
    tpu.barrier barrier_id(%barrier3A)
    "tpu.region"() ({
      %run_scoped3A = tpu.sem_alloc : memref<!tpu.dma_semaphore, #tpu.memory_space<semaphore_mem>>
      %dma_start3A = arith.constant 0 : i32
      %dma_start3A_176 = tpu.memref_slice %arg3[%dma_start3A] : memref<10240xf32, #tpu.memory_space<hbm>> -> memref<640xf32, #tpu.memory_space<hbm>>
      %dma_start3A_177 = arith.constant 0 : i32
      %dma_start3A_178 = tpu.memref_slice %arg3[%dma_start3A_177] : memref<10240xf32, #tpu.memory_space<hbm>> -> memref<640xf32, #tpu.memory_space<hbm>>
      tpu.enqueue_dma source(%dma_start3A_178 : memref<640xf32, #tpu.memory_space<hbm>>) target(%arg8 : memref<640xf32, #tpu.memory_space<vmem>>) target_semaphore(%run_scoped3A : memref<!tpu.dma_semaphore, #tpu.memory_space<semaphore_mem>>)
      %dma_wait3A = arith.constant 0 : i32
      %dma_wait3A_179 = tpu.memref_slice %arg3[%dma_wait3A] : memref<10240xf32, #tpu.memory_space<hbm>> -> memref<640xf32, #tpu.memory_space<hbm>>
      %dma_wait3A_180 = arith.constant 0 : i32
      %dma_wait3A_181 = tpu.memref_slice %arg3[%dma_wait3A_180] : memref<10240xf32, #tpu.memory_space<hbm>> -> memref<640xf32, #tpu.memory_space<hbm>>
      tpu.wait_dma2 semaphore(%run_scoped3A : memref<!tpu.dma_semaphore, #tpu.memory_space<semaphore_mem>>) src(%dma_wait3A_181 : memref<640xf32, #tpu.memory_space<hbm>>) dst(%arg8 : memref<640xf32, #tpu.memory_space<vmem>>)
      tpu.yield
    }) : () -> ()
    %mul3A_11 = arith.constant 640 : i32
    %mul3A_12 = arith.muli %arg1, %mul3A_11 : i32
    %add3A_13 = arith.constant 0 : i32
    %add3A_14 = arith.addi %add3A_13, %mul3A_12 : i32
    "tpu.region"() ({
      %run_scoped3A = tpu.sem_alloc : memref<!tpu.dma_semaphore, #tpu.memory_space<semaphore_mem>>
      %dma_start3A = tpu.memref_slice %arg9[%add3A_14] : memref<163840xf32, #tpu.memory_space<vmem_shared>> -> memref<640xf32, #tpu.memory_space<vmem_shared>>
      %dma_start3A_176 = tpu.memref_slice %arg9[%add3A_14] : memref<163840xf32, #tpu.memory_space<vmem_shared>> -> memref<640xf32, #tpu.memory_space<vmem_shared>>
      tpu.enqueue_dma source(%dma_start3A_176 : memref<640xf32, #tpu.memory_space<vmem_shared>>) target(%arg7 : memref<640xf32, #tpu.memory_space<vmem>>) target_semaphore(%run_scoped3A : memref<!tpu.dma_semaphore, #tpu.memory_space<semaphore_mem>>)
      %dma_wait3A = tpu.memref_slice %arg9[%add3A_14] : memref<163840xf32, #tpu.memory_space<vmem_shared>> -> memref<640xf32, #tpu.memory_space<vmem_shared>>
      %dma_wait3A_177 = tpu.memref_slice %arg9[%add3A_14] : memref<163840xf32, #tpu.memory_space<vmem_shared>> -> memref<640xf32, #tpu.memory_space<vmem_shared>>
      tpu.wait_dma2 semaphore(%run_scoped3A : memref<!tpu.dma_semaphore, #tpu.memory_space<semaphore_mem>>) src(%dma_wait3A_177 : memref<640xf32, #tpu.memory_space<vmem_shared>>) dst(%arg7 : memref<640xf32, #tpu.memory_space<vmem>>)
      tpu.yield
    }) : () -> ()
    %scan3A_15 = arith.constant 0 : i32
    %scan3A_16 = arith.constant 0 : i32
    %scan3A_17 = arith.constant 40 : i32
    %scan3A_18 = arith.addi %scan3A_16, %scan3A_17 : i32
    %scan3A_19 = arith.constant 1 : i32
    scf.for %scan3A_176 = %scan3A_16 to %scan3A_18 step %scan3A_19  : i32 {
      %mul3A_177 = arith.constant 16 : i32
      %mul3A_178 = arith.muli %scan3A_176, %mul3A_177 : i32
      %get3A = arith.index_cast %mul3A_178 : i32 to index
      %get3A_179 = tpu.vector_load %arg8[%get3A] {strides = array<i32>} : memref<640xf32, #tpu.memory_space<vmem>>, vector<16xf32>,
      %get3A_180 = arith.index_cast %mul3A_178 : i32 to index
      %get3A_181 = tpu.vector_load %arg7[%get3A_180] {strides = array<i32>} : memref<640xf32, #tpu.memory_space<vmem>>, vector<16xf32>,
      %add3A_182 = arith.addf %get3A_179, %get3A_181 : vector<16xf32>
      %swap3A = arith.index_cast %mul3A_178 : i32 to index
      %swap3A_183 = tpu.vector_load %arg8[%swap3A] {strides = array<i32>} : memref<640xf32, #tpu.memory_space<vmem>>, vector<16xf32>,
      tpu.vector_store %arg8[%swap3A], %add3A_182 {strides = array<i32>} : memref<640xf32, #tpu.memory_space<vmem>>, vector<16xf32>,
    }
    %scan3A_20 = arith.constant 40 : i32
    %mul3A_21 = arith.constant 640 : i32
    %mul3A_22 = arith.muli %arg1, %mul3A_21 : i32
    %add3A_23 = arith.constant 10240 : i32
    %add3A_24 = arith.addi %add3A_23, %mul3A_22 : i32
    "tpu.region"() ({
      %run_scoped3A = tpu.sem_alloc : memref<!tpu.dma_semaphore, #tpu.memory_space<semaphore_mem>>
      %dma_start3A = tpu.memref_slice %arg9[%add3A_24] : memref<163840xf32, #tpu.memory_space<vmem_shared>> -> memref<640xf32, #tpu.memory_space<vmem_shared>>
      %dma_start3A_176 = tpu.memref_slice %arg9[%add3A_24] : memref<163840xf32, #tpu.memory_space<vmem_shared>> -> memref<640xf32, #tpu.memory_space<vmem_shared>>
      tpu.enqueue_dma source(%dma_start3A_176 : memref<640xf32, #tpu.memory_space<vmem_shared>>) target(%arg7 : memref<640xf32, #tpu.memory_space<vmem>>) target_semaphore(%run_scoped3A : memref<!tpu.dma_semaphore, #tpu.memory_space<semaphore_mem>>)
      %dma_wait3A = tpu.memref_slice %arg9[%add3A_24] : memref<163840xf32, #tpu.memory_space<vmem_shared>> -> memref<640xf32, #tpu.memory_space<vmem_shared>>
      %dma_wait3A_177 = tpu.memref_slice %arg9[%add3A_24] : memref<163840xf32, #tpu.memory_space<vmem_shared>> -> memref<640xf32, #tpu.memory_space<vmem_shared>>
      tpu.wait_dma2 semaphore(%run_scoped3A : memref<!tpu.dma_semaphore, #tpu.memory_space<semaphore_mem>>) src(%dma_wait3A_177 : memref<640xf32, #tpu.memory_space<vmem_shared>>) dst(%arg7 : memref<640xf32, #tpu.memory_space<vmem>>)
      tpu.yield
    }) : () -> ()
    %scan3A_25 = arith.constant 0 : i32
    %scan3A_26 = arith.constant 0 : i32
    %scan3A_27 = arith.constant 40 : i32
    %scan3A_28 = arith.addi %scan3A_26, %scan3A_27 : i32
    %scan3A_29 = arith.constant 1 : i32
    scf.for %scan3A_176 = %scan3A_26 to %scan3A_28 step %scan3A_29  : i32 {
      %mul3A_177 = arith.constant 16 : i32
      %mul3A_178 = arith.muli %scan3A_176, %mul3A_177 : i32
      %get3A = arith.index_cast %mul3A_178 : i32 to index
      %get3A_179 = tpu.vector_load %arg8[%get3A] {strides = array<i32>} : memref<640xf32, #tpu.memory_space<vmem>>, vector<16xf32>,
      %get3A_180 = arith.index_cast %mul3A_178 : i32 to index
      %get3A_181 = tpu.vector_load %arg7[%get3A_180] {strides = array<i32>} : memref<640xf32, #tpu.memory_space<vmem>>, vector<16xf32>,
      %add3A_182 = arith.addf %get3A_179, %get3A_181 : vector<16xf32>
      %swap3A = arith.index_cast %mul3A_178 : i32 to index
      %swap3A_183 = tpu.vector_load %arg8[%swap3A] {strides = array<i32>} : memref<640xf32, #tpu.memory_space<vmem>>, vector<16xf32>,
      tpu.vector_store %arg8[%swap3A], %add3A_182 {strides = array<i32>} : memref<640xf32, #tpu.memory_space<vmem>>, vector<16xf32>,
    }
    %scan3A_30 = arith.constant 40 : i32
    %mul3A_31 = arith.constant 640 : i32
    %mul3A_32 = arith.muli %arg1, %mul3A_31 : i32
    %add3A_33 = arith.constant 20480 : i32
    %add3A_34 = arith.addi %add3A_33, %mul3A_32 : i32
    "tpu.region"() ({
      %run_scoped3A = tpu.sem_alloc : memref<!tpu.dma_semaphore, #tpu.memory_space<semaphore_mem>>
      %dma_start3A = tpu.memref_slice %arg9[%add3A_34] : memref<163840xf32, #tpu.memory_space<vmem_shared>> -> memref<640xf32, #tpu.memory_space<vmem_shared>>
      %dma_start3A_176 = tpu.memref_slice %arg9[%add3A_34] : memref<163840xf32, #tpu.memory_space<vmem_shared>> -> memref<640xf32, #tpu.memory_space<vmem_shared>>
      tpu.enqueue_dma source(%dma_start3A_176 : memref<640xf32, #tpu.memory_space<vmem_shared>>) target(%arg7 : memref<640xf32, #tpu.memory_space<vmem>>) target_semaphore(%run_scoped3A : memref<!tpu.dma_semaphore, #tpu.memory_space<semaphore_mem>>)
      %dma_wait3A = tpu.memref_slice %arg9[%add3A_34] : memref<163840xf32, #tpu.memory_space<vmem_shared>> -> memref<640xf32, #tpu.memory_space<vmem_shared>>
      %dma_wait3A_177 = tpu.memref_slice %arg9[%add3A_34] : memref<163840xf32, #tpu.memory_space<vmem_shared>> -> memref<640xf32, #tpu.memory_space<vmem_shared>>
      tpu.wait_dma2 semaphore(%run_scoped3A : memref<!tpu.dma_semaphore, #tpu.memory_space<semaphore_mem>>) src(%dma_wait3A_177 : memref<640xf32, #tpu.memory_space<vmem_shared>>) dst(%arg7 : memref<640xf32, #tpu.memory_space<vmem>>)
      tpu.yield
    }) : () -> ()
    %scan3A_35 = arith.constant 0 : i32
    %scan3A_36 = arith.constant 0 : i32
    %scan3A_37 = arith.constant 40 : i32
    %scan3A_38 = arith.addi %scan3A_36, %scan3A_37 : i32
    %scan3A_39 = arith.constant 1 : i32
    scf.for %scan3A_176 = %scan3A_36 to %scan3A_38 step %scan3A_39  : i32 {
      %mul3A_177 = arith.constant 16 : i32
      %mul3A_178 = arith.muli %scan3A_176, %mul3A_177 : i32
      %get3A = arith.index_cast %mul3A_178 : i32 to index
      %get3A_179 = tpu.vector_load %arg8[%get3A] {strides = array<i32>} : memref<640xf32, #tpu.memory_space<vmem>>, vector<16xf32>,
      %get3A_180 = arith.index_cast %mul3A_178 : i32 to index
      %get3A_181 = tpu.vector_load %arg7[%get3A_180] {strides = array<i32>} : memref<640xf32, #tpu.memory_space<vmem>>, vector<16xf32>,
      %add3A_182 = arith.addf %get3A_179, %get3A_181 : vector<16xf32>
      %swap3A = arith.index_cast %mul3A_178 : i32 to index
      %swap3A_183 = tpu.vector_load %arg8[%swap3A] {strides = array<i32>} : memref<640xf32, #tpu.memory_space<vmem>>, vector<16xf32>,
      tpu.vector_store %arg8[%swap3A], %add3A_182 {strides = array<i32>} : memref<640xf32, #tpu.memory_space<vmem>>, vector<16xf32>,
    }
    %scan3A_40 = arith.constant 40 : i32
    %mul3A_41 = arith.constant 640 : i32
    %mul3A_42 = arith.muli %arg1, %mul3A_41 : i32
    %add3A_43 = arith.constant 30720 : i32
    %add3A_44 = arith.addi %add3A_43, %mul3A_42 : i32
    "tpu.region"() ({
      %run_scoped3A = tpu.sem_alloc : memref<!tpu.dma_semaphore, #tpu.memory_space<semaphore_mem>>
      %dma_start3A = tpu.memref_slice %arg9[%add3A_44] : memref<163840xf32, #tpu.memory_space<vmem_shared>> -> memref<640xf32, #tpu.memory_space<vmem_shared>>
      %dma_start3A_176 = tpu.memref_slice %arg9[%add3A_44] : memref<163840xf32, #tpu.memory_space<vmem_shared>> -> memref<640xf32, #tpu.memory_space<vmem_shared>>
      tpu.enqueue_dma source(%dma_start3A_176 : memref<640xf32, #tpu.memory_space<vmem_shared>>) target(%arg7 : memref<640xf32, #tpu.memory_space<vmem>>) target_semaphore(%run_scoped3A : memref<!tpu.dma_semaphore, #tpu.memory_space<semaphore_mem>>)
      %dma_wait3A = tpu.memref_slice %arg9[%add3A_44] : memref<163840xf32, #tpu.memory_space<vmem_shared>> -> memref<640xf32, #tpu.memory_space<vmem_shared>>
      %dma_wait3A_177 = tpu.memref_slice %arg9[%add3A_44] : memref<163840xf32, #tpu.memory_space<vmem_shared>> -> memref<640xf32, #tpu.memory_space<vmem_shared>>
      tpu.wait_dma2 semaphore(%run_scoped3A : memref<!tpu.dma_semaphore, #tpu.memory_space<semaphore_mem>>) src(%dma_wait3A_177 : memref<640xf32, #tpu.memory_space<vmem_shared>>) dst(%arg7 : memref<640xf32, #tpu.memory_space<vmem>>)
      tpu.yield
    }) : () -> ()
    %scan3A_45 = arith.constant 0 : i32
    %scan3A_46 = arith.constant 0 : i32
    %scan3A_47 = arith.constant 40 : i32
    %scan3A_48 = arith.addi %scan3A_46, %scan3A_47 : i32
    %scan3A_49 = arith.constant 1 : i32
    scf.for %scan3A_176 = %scan3A_46 to %scan3A_48 step %scan3A_49  : i32 {
      %mul3A_177 = arith.constant 16 : i32
      %mul3A_178 = arith.muli %scan3A_176, %mul3A_177 : i32
      %get3A = arith.index_cast %mul3A_178 : i32 to index
      %get3A_179 = tpu.vector_load %arg8[%get3A] {strides = array<i32>} : memref<640xf32, #tpu.memory_space<vmem>>, vector<16xf32>,
      %get3A_180 = arith.index_cast %mul3A_178 : i32 to index
      %get3A_181 = tpu.vector_load %arg7[%get3A_180] {strides = array<i32>} : memref<640xf32, #tpu.memory_space<vmem>>, vector<16xf32>,
      %add3A_182 = arith.addf %get3A_179, %get3A_181 : vector<16xf32>
      %swap3A = arith.index_cast %mul3A_178 : i32 to index
      %swap3A_183 = tpu.vector_load %arg8[%swap3A] {strides = array<i32>} : memref<640xf32, #tpu.memory_space<vmem>>, vector<16xf32>,
      tpu.vector_store %arg8[%swap3A], %add3A_182 {strides = array<i32>} : memref<640xf32, #tpu.memory_space<vmem>>, vector<16xf32>,
    }
    %scan3A_50 = arith.constant 40 : i32
    %mul3A_51 = arith.constant 640 : i32
    %mul3A_52 = arith.muli %arg1, %mul3A_51 : i32
    %add3A_53 = arith.constant 40960 : i32
    %add3A_54 = arith.addi %add3A_53, %mul3A_52 : i32
    "tpu.region"() ({
      %run_scoped3A = tpu.sem_alloc : memref<!tpu.dma_semaphore, #tpu.memory_space<semaphore_mem>>
      %dma_start3A = tpu.memref_slice %arg9[%add3A_54] : memref<163840xf32, #tpu.memory_space<vmem_shared>> -> memref<640xf32, #tpu.memory_space<vmem_shared>>
      %dma_start3A_176 = tpu.memref_slice %arg9[%add3A_54] : memref<163840xf32, #tpu.memory_space<vmem_shared>> -> memref<640xf32, #tpu.memory_space<vmem_shared>>
      tpu.enqueue_dma source(%dma_start3A_176 : memref<640xf32, #tpu.memory_space<vmem_shared>>) target(%arg7 : memref<640xf32, #tpu.memory_space<vmem>>) target_semaphore(%run_scoped3A : memref<!tpu.dma_semaphore, #tpu.memory_space<semaphore_mem>>)
      %dma_wait3A = tpu.memref_slice %arg9[%add3A_54] : memref<163840xf32, #tpu.memory_space<vmem_shared>> -> memref<640xf32, #tpu.memory_space<vmem_shared>>
      %dma_wait3A_177 = tpu.memref_slice %arg9[%add3A_54] : memref<163840xf32, #tpu.memory_space<vmem_shared>> -> memref<640xf32, #tpu.memory_space<vmem_shared>>
      tpu.wait_dma2 semaphore(%run_scoped3A : memref<!tpu.dma_semaphore, #tpu.memory_space<semaphore_mem>>) src(%dma_wait3A_177 : memref<640xf32, #tpu.memory_space<vmem_shared>>) dst(%arg7 : memref<640xf32, #tpu.memory_space<vmem>>)
      tpu.yield
    }) : () -> ()
    %scan3A_55 = arith.constant 0 : i32
    %scan3A_56 = arith.constant 0 : i32
    %scan3A_57 = arith.constant 40 : i32
    %scan3A_58 = arith.addi %scan3A_56, %scan3A_57 : i32
    %scan3A_59 = arith.constant 1 : i32
    scf.for %scan3A_176 = %scan3A_56 to %scan3A_58 step %scan3A_59  : i32 {
      %mul3A_177 = arith.constant 16 : i32
      %mul3A_178 = arith.muli %scan3A_176, %mul3A_177 : i32
      %get3A = arith.index_cast %mul3A_178 : i32 to index
      %get3A_179 = tpu.vector_load %arg8[%get3A] {strides = array<i32>} : memref<640xf32, #tpu.memory_space<vmem>>, vector<16xf32>,
      %get3A_180 = arith.index_cast %mul3A_178 : i32 to index
      %get3A_181 = tpu.vector_load %arg7[%get3A_180] {strides = array<i32>} : memref<640xf32, #tpu.memory_space<vmem>>, vector<16xf32>,
      %add3A_182 = arith.addf %get3A_179, %get3A_181 : vector<16xf32>
      %swap3A = arith.index_cast %mul3A_178 : i32 to index
      %swap3A_183 = tpu.vector_load %arg8[%swap3A] {strides = array<i32>} : memref<640xf32, #tpu.memory_space<vmem>>, vector<16xf32>,
      tpu.vector_store %arg8[%swap3A], %add3A_182 {strides = array<i32>} : memref<640xf32, #tpu.memory_space<vmem>>, vector<16xf32>,
    }
    %scan3A_60 = arith.constant 40 : i32
    %mul3A_61 = arith.constant 640 : i32
    %mul3A_62 = arith.muli %arg1, %mul3A_61 : i32
    %add3A_63 = arith.constant 51200 : i32
    %add3A_64 = arith.addi %add3A_63, %mul3A_62 : i32
    "tpu.region"() ({
      %run_scoped3A = tpu.sem_alloc : memref<!tpu.dma_semaphore, #tpu.memory_space<semaphore_mem>>
      %dma_start3A = tpu.memref_slice %arg9[%add3A_64] : memref<163840xf32, #tpu.memory_space<vmem_shared>> -> memref<640xf32, #tpu.memory_space<vmem_shared>>
      %dma_start3A_176 = tpu.memref_slice %arg9[%add3A_64] : memref<163840xf32, #tpu.memory_space<vmem_shared>> -> memref<640xf32, #tpu.memory_space<vmem_shared>>
      tpu.enqueue_dma source(%dma_start3A_176 : memref<640xf32, #tpu.memory_space<vmem_shared>>) target(%arg7 : memref<640xf32, #tpu.memory_space<vmem>>) target_semaphore(%run_scoped3A : memref<!tpu.dma_semaphore, #tpu.memory_space<semaphore_mem>>)
      %dma_wait3A = tpu.memref_slice %arg9[%add3A_64] : memref<163840xf32, #tpu.memory_space<vmem_shared>> -> memref<640xf32, #tpu.memory_space<vmem_shared>>
      %dma_wait3A_177 = tpu.memref_slice %arg9[%add3A_64] : memref<163840xf32, #tpu.memory_space<vmem_shared>> -> memref<640xf32, #tpu.memory_space<vmem_shared>>
      tpu.wait_dma2 semaphore(%run_scoped3A : memref<!tpu.dma_semaphore, #tpu.memory_space<semaphore_mem>>) src(%dma_wait3A_177 : memref<640xf32, #tpu.memory_space<vmem_shared>>) dst(%arg7 : memref<640xf32, #tpu.memory_space<vmem>>)
      tpu.yield
    }) : () -> ()
    %scan3A_65 = arith.constant 0 : i32
    %scan3A_66 = arith.constant 0 : i32
    %scan3A_67 = arith.constant 40 : i32
    %scan3A_68 = arith.addi %scan3A_66, %scan3A_67 : i32
    %scan3A_69 = arith.constant 1 : i32
    scf.for %scan3A_176 = %scan3A_66 to %scan3A_68 step %scan3A_69  : i32 {
      %mul3A_177 = arith.constant 16 : i32
      %mul3A_178 = arith.muli %scan3A_176, %mul3A_177 : i32
      %get3A = arith.index_cast %mul3A_178 : i32 to index
      %get3A_179 = tpu.vector_load %arg8[%get3A] {strides = array<i32>} : memref<640xf32, #tpu.memory_space<vmem>>, vector<16xf32>,
      %get3A_180 = arith.index_cast %mul3A_178 : i32 to index
      %get3A_181 = tpu.vector_load %arg7[%get3A_180] {strides = array<i32>} : memref<640xf32, #tpu.memory_space<vmem>>, vector<16xf32>,
      %add3A_182 = arith.addf %get3A_179, %get3A_181 : vector<16xf32>
      %swap3A = arith.index_cast %mul3A_178 : i32 to index
      %swap3A_183 = tpu.vector_load %arg8[%swap3A] {strides = array<i32>} : memref<640xf32, #tpu.memory_space<vmem>>, vector<16xf32>,
      tpu.vector_store %arg8[%swap3A], %add3A_182 {strides = array<i32>} : memref<640xf32, #tpu.memory_space<vmem>>, vector<16xf32>,
    }
    %scan3A_70 = arith.constant 40 : i32
    %mul3A_71 = arith.constant 640 : i32
    %mul3A_72 = arith.muli %arg1, %mul3A_71 : i32
    %add3A_73 = arith.constant 61440 : i32
    %add3A_74 = arith.addi %add3A_73, %mul3A_72 : i32
    "tpu.region"() ({
      %run_scoped3A = tpu.sem_alloc : memref<!tpu.dma_semaphore, #tpu.memory_space<semaphore_mem>>
      %dma_start3A = tpu.memref_slice %arg9[%add3A_74] : memref<163840xf32, #tpu.memory_space<vmem_shared>> -> memref<640xf32, #tpu.memory_space<vmem_shared>>
      %dma_start3A_176 = tpu.memref_slice %arg9[%add3A_74] : memref<163840xf32, #tpu.memory_space<vmem_shared>> -> memref<640xf32, #tpu.memory_space<vmem_shared>>
      tpu.enqueue_dma source(%dma_start3A_176 : memref<640xf32, #tpu.memory_space<vmem_shared>>) target(%arg7 : memref<640xf32, #tpu.memory_space<vmem>>) target_semaphore(%run_scoped3A : memref<!tpu.dma_semaphore, #tpu.memory_space<semaphore_mem>>)
      %dma_wait3A = tpu.memref_slice %arg9[%add3A_74] : memref<163840xf32, #tpu.memory_space<vmem_shared>> -> memref<640xf32, #tpu.memory_space<vmem_shared>>
      %dma_wait3A_177 = tpu.memref_slice %arg9[%add3A_74] : memref<163840xf32, #tpu.memory_space<vmem_shared>> -> memref<640xf32, #tpu.memory_space<vmem_shared>>
      tpu.wait_dma2 semaphore(%run_scoped3A : memref<!tpu.dma_semaphore, #tpu.memory_space<semaphore_mem>>) src(%dma_wait3A_177 : memref<640xf32, #tpu.memory_space<vmem_shared>>) dst(%arg7 : memref<640xf32, #tpu.memory_space<vmem>>)
      tpu.yield
    }) : () -> ()
    %scan3A_75 = arith.constant 0 : i32
    %scan3A_76 = arith.constant 0 : i32
    %scan3A_77 = arith.constant 40 : i32
    %scan3A_78 = arith.addi %scan3A_76, %scan3A_77 : i32
    %scan3A_79 = arith.constant 1 : i32
    scf.for %scan3A_176 = %scan3A_76 to %scan3A_78 step %scan3A_79  : i32 {
      %mul3A_177 = arith.constant 16 : i32
      %mul3A_178 = arith.muli %scan3A_176, %mul3A_177 : i32
      %get3A = arith.index_cast %mul3A_178 : i32 to index
      %get3A_179 = tpu.vector_load %arg8[%get3A] {strides = array<i32>} : memref<640xf32, #tpu.memory_space<vmem>>, vector<16xf32>,
      %get3A_180 = arith.index_cast %mul3A_178 : i32 to index
      %get3A_181 = tpu.vector_load %arg7[%get3A_180] {strides = array<i32>} : memref<640xf32, #tpu.memory_space<vmem>>, vector<16xf32>,
      %add3A_182 = arith.addf %get3A_179, %get3A_181 : vector<16xf32>
      %swap3A = arith.index_cast %mul3A_178 : i32 to index
      %swap3A_183 = tpu.vector_load %arg8[%swap3A] {strides = array<i32>} : memref<640xf32, #tpu.memory_space<vmem>>, vector<16xf32>,
      tpu.vector_store %arg8[%swap3A], %add3A_182 {strides = array<i32>} : memref<640xf32, #tpu.memory_space<vmem>>, vector<16xf32>,
    }
    %scan3A_80 = arith.constant 40 : i32
    %mul3A_81 = arith.constant 640 : i32
    %mul3A_82 = arith.muli %arg1, %mul3A_81 : i32
    %add3A_83 = arith.constant 71680 : i32
    %add3A_84 = arith.addi %add3A_83, %mul3A_82 : i32
    "tpu.region"() ({
      %run_scoped3A = tpu.sem_alloc : memref<!tpu.dma_semaphore, #tpu.memory_space<semaphore_mem>>
      %dma_start3A = tpu.memref_slice %arg9[%add3A_84] : memref<163840xf32, #tpu.memory_space<vmem_shared>> -> memref<640xf32, #tpu.memory_space<vmem_shared>>
      %dma_start3A_176 = tpu.memref_slice %arg9[%add3A_84] : memref<163840xf32, #tpu.memory_space<vmem_shared>> -> memref<640xf32, #tpu.memory_space<vmem_shared>>
      tpu.enqueue_dma source(%dma_start3A_176 : memref<640xf32, #tpu.memory_space<vmem_shared>>) target(%arg7 : memref<640xf32, #tpu.memory_space<vmem>>) target_semaphore(%run_scoped3A : memref<!tpu.dma_semaphore, #tpu.memory_space<semaphore_mem>>)
      %dma_wait3A = tpu.memref_slice %arg9[%add3A_84] : memref<163840xf32, #tpu.memory_space<vmem_shared>> -> memref<640xf32, #tpu.memory_space<vmem_shared>>
      %dma_wait3A_177 = tpu.memref_slice %arg9[%add3A_84] : memref<163840xf32, #tpu.memory_space<vmem_shared>> -> memref<640xf32, #tpu.memory_space<vmem_shared>>
      tpu.wait_dma2 semaphore(%run_scoped3A : memref<!tpu.dma_semaphore, #tpu.memory_space<semaphore_mem>>) src(%dma_wait3A_177 : memref<640xf32, #tpu.memory_space<vmem_shared>>) dst(%arg7 : memref<640xf32, #tpu.memory_space<vmem>>)
      tpu.yield
    }) : () -> ()
    %scan3A_85 = arith.constant 0 : i32
    %scan3A_86 = arith.constant 0 : i32
    %scan3A_87 = arith.constant 40 : i32
    %scan3A_88 = arith.addi %scan3A_86, %scan3A_87 : i32
    %scan3A_89 = arith.constant 1 : i32
    scf.for %scan3A_176 = %scan3A_86 to %scan3A_88 step %scan3A_89  : i32 {
      %mul3A_177 = arith.constant 16 : i32
      %mul3A_178 = arith.muli %scan3A_176, %mul3A_177 : i32
      %get3A = arith.index_cast %mul3A_178 : i32 to index
      %get3A_179 = tpu.vector_load %arg8[%get3A] {strides = array<i32>} : memref<640xf32, #tpu.memory_space<vmem>>, vector<16xf32>,
      %get3A_180 = arith.index_cast %mul3A_178 : i32 to index
      %get3A_181 = tpu.vector_load %arg7[%get3A_180] {strides = array<i32>} : memref<640xf32, #tpu.memory_space<vmem>>, vector<16xf32>,
      %add3A_182 = arith.addf %get3A_179, %get3A_181 : vector<16xf32>
      %swap3A = arith.index_cast %mul3A_178 : i32 to index
      %swap3A_183 = tpu.vector_load %arg8[%swap3A] {strides = array<i32>} : memref<640xf32, #tpu.memory_space<vmem>>, vector<16xf32>,
      tpu.vector_store %arg8[%swap3A], %add3A_182 {strides = array<i32>} : memref<640xf32, #tpu.memory_space<vmem>>, vector<16xf32>,
    }
    %scan3A_90 = arith.constant 40 : i32
    %mul3A_91 = arith.constant 640 : i32
    %mul3A_92 = arith.muli %arg1, %mul3A_91 : i32
    %add3A_93 = arith.constant 81920 : i32
    %add3A_94 = arith.addi %add3A_93, %mul3A_92 : i32
    "tpu.region"() ({
      %run_scoped3A = tpu.sem_alloc : memref<!tpu.dma_semaphore, #tpu.memory_space<semaphore_mem>>
      %dma_start3A = tpu.memref_slice %arg9[%add3A_94] : memref<163840xf32, #tpu.memory_space<vmem_shared>> -> memref<640xf32, #tpu.memory_space<vmem_shared>>
      %dma_start3A_176 = tpu.memref_slice %arg9[%add3A_94] : memref<163840xf32, #tpu.memory_space<vmem_shared>> -> memref<640xf32, #tpu.memory_space<vmem_shared>>
      tpu.enqueue_dma source(%dma_start3A_176 : memref<640xf32, #tpu.memory_space<vmem_shared>>) target(%arg7 : memref<640xf32, #tpu.memory_space<vmem>>) target_semaphore(%run_scoped3A : memref<!tpu.dma_semaphore, #tpu.memory_space<semaphore_mem>>)
      %dma_wait3A = tpu.memref_slice %arg9[%add3A_94] : memref<163840xf32, #tpu.memory_space<vmem_shared>> -> memref<640xf32, #tpu.memory_space<vmem_shared>>
      %dma_wait3A_177 = tpu.memref_slice %arg9[%add3A_94] : memref<163840xf32, #tpu.memory_space<vmem_shared>> -> memref<640xf32, #tpu.memory_space<vmem_shared>>
      tpu.wait_dma2 semaphore(%run_scoped3A : memref<!tpu.dma_semaphore, #tpu.memory_space<semaphore_mem>>) src(%dma_wait3A_177 : memref<640xf32, #tpu.memory_space<vmem_shared>>) dst(%arg7 : memref<640xf32, #tpu.memory_space<vmem>>)
      tpu.yield
    }) : () -> ()
    %scan3A_95 = arith.constant 0 : i32
    %scan3A_96 = arith.constant 0 : i32
    %scan3A_97 = arith.constant 40 : i32
    %scan3A_98 = arith.addi %scan3A_96, %scan3A_97 : i32
    %scan3A_99 = arith.constant 1 : i32
    scf.for %scan3A_176 = %scan3A_96 to %scan3A_98 step %scan3A_99  : i32 {
      %mul3A_177 = arith.constant 16 : i32
      %mul3A_178 = arith.muli %scan3A_176, %mul3A_177 : i32
      %get3A = arith.index_cast %mul3A_178 : i32 to index
      %get3A_179 = tpu.vector_load %arg8[%get3A] {strides = array<i32>} : memref<640xf32, #tpu.memory_space<vmem>>, vector<16xf32>,
      %get3A_180 = arith.index_cast %mul3A_178 : i32 to index
      %get3A_181 = tpu.vector_load %arg7[%get3A_180] {strides = array<i32>} : memref<640xf32, #tpu.memory_space<vmem>>, vector<16xf32>,
      %add3A_182 = arith.addf %get3A_179, %get3A_181 : vector<16xf32>
      %swap3A = arith.index_cast %mul3A_178 : i32 to index
      %swap3A_183 = tpu.vector_load %arg8[%swap3A] {strides = array<i32>} : memref<640xf32, #tpu.memory_space<vmem>>, vector<16xf32>,
      tpu.vector_store %arg8[%swap3A], %add3A_182 {strides = array<i32>} : memref<640xf32, #tpu.memory_space<vmem>>, vector<16xf32>,
    }
    %scan3A_100 = arith.constant 40 : i32
    %mul3A_101 = arith.constant 640 : i32
    %mul3A_102 = arith.muli %arg1, %mul3A_101 : i32
    %add3A_103 = arith.constant 92160 : i32
    %add3A_104 = arith.addi %add3A_103, %mul3A_102 : i32
    "tpu.region"() ({
      %run_scoped3A = tpu.sem_alloc : memref<!tpu.dma_semaphore, #tpu.memory_space<semaphore_mem>>
      %dma_start3A = tpu.memref_slice %arg9[%add3A_104] : memref<163840xf32, #tpu.memory_space<vmem_shared>> -> memref<640xf32, #tpu.memory_space<vmem_shared>>
      %dma_start3A_176 = tpu.memref_slice %arg9[%add3A_104] : memref<163840xf32, #tpu.memory_space<vmem_shared>> -> memref<640xf32, #tpu.memory_space<vmem_shared>>
      tpu.enqueue_dma source(%dma_start3A_176 : memref<640xf32, #tpu.memory_space<vmem_shared>>) target(%arg7 : memref<640xf32, #tpu.memory_space<vmem>>) target_semaphore(%run_scoped3A : memref<!tpu.dma_semaphore, #tpu.memory_space<semaphore_mem>>)
      %dma_wait3A = tpu.memref_slice %arg9[%add3A_104] : memref<163840xf32, #tpu.memory_space<vmem_shared>> -> memref<640xf32, #tpu.memory_space<vmem_shared>>
      %dma_wait3A_177 = tpu.memref_slice %arg9[%add3A_104] : memref<163840xf32, #tpu.memory_space<vmem_shared>> -> memref<640xf32, #tpu.memory_space<vmem_shared>>
      tpu.wait_dma2 semaphore(%run_scoped3A : memref<!tpu.dma_semaphore, #tpu.memory_space<semaphore_mem>>) src(%dma_wait3A_177 : memref<640xf32, #tpu.memory_space<vmem_shared>>) dst(%arg7 : memref<640xf32, #tpu.memory_space<vmem>>)
      tpu.yield
    }) : () -> ()
    %scan3A_105 = arith.constant 0 : i32
    %scan3A_106 = arith.constant 0 : i32
    %scan3A_107 = arith.constant 40 : i32
    %scan3A_108 = arith.addi %scan3A_106, %scan3A_107 : i32
    %scan3A_109 = arith.constant 1 : i32
    scf.for %scan3A_176 = %scan3A_106 to %scan3A_108 step %scan3A_109  : i32 {
      %mul3A_177 = arith.constant 16 : i32
      %mul3A_178 = arith.muli %scan3A_176, %mul3A_177 : i32
      %get3A = arith.index_cast %mul3A_178 : i32 to index
      %get3A_179 = tpu.vector_load %arg8[%get3A] {strides = array<i32>} : memref<640xf32, #tpu.memory_space<vmem>>, vector<16xf32>,
      %get3A_180 = arith.index_cast %mul3A_178 : i32 to index
      %get3A_181 = tpu.vector_load %arg7[%get3A_180] {strides = array<i32>} : memref<640xf32, #tpu.memory_space<vmem>>, vector<16xf32>,
      %add3A_182 = arith.addf %get3A_179, %get3A_181 : vector<16xf32>
      %swap3A = arith.index_cast %mul3A_178 : i32 to index
      %swap3A_183 = tpu.vector_load %arg8[%swap3A] {strides = array<i32>} : memref<640xf32, #tpu.memory_space<vmem>>, vector<16xf32>,
      tpu.vector_store %arg8[%swap3A], %add3A_182 {strides = array<i32>} : memref<640xf32, #tpu.memory_space<vmem>>, vector<16xf32>,
    }
    %scan3A_110 = arith.constant 40 : i32
    %mul3A_111 = arith.constant 640 : i32
    %mul3A_112 = arith.muli %arg1, %mul3A_111 : i32
    %add3A_113 = arith.constant 102400 : i32
    %add3A_114 = arith.addi %add3A_113, %mul3A_112 : i32
    "tpu.region"() ({
      %run_scoped3A = tpu.sem_alloc : memref<!tpu.dma_semaphore, #tpu.memory_space<semaphore_mem>>
      %dma_start3A = tpu.memref_slice %arg9[%add3A_114] : memref<163840xf32, #tpu.memory_space<vmem_shared>> -> memref<640xf32, #tpu.memory_space<vmem_shared>>
      %dma_start3A_176 = tpu.memref_slice %arg9[%add3A_114] : memref<163840xf32, #tpu.memory_space<vmem_shared>> -> memref<640xf32, #tpu.memory_space<vmem_shared>>
      tpu.enqueue_dma source(%dma_start3A_176 : memref<640xf32, #tpu.memory_space<vmem_shared>>) target(%arg7 : memref<640xf32, #tpu.memory_space<vmem>>) target_semaphore(%run_scoped3A : memref<!tpu.dma_semaphore, #tpu.memory_space<semaphore_mem>>)
      %dma_wait3A = tpu.memref_slice %arg9[%add3A_114] : memref<163840xf32, #tpu.memory_space<vmem_shared>> -> memref<640xf32, #tpu.memory_space<vmem_shared>>
      %dma_wait3A_177 = tpu.memref_slice %arg9[%add3A_114] : memref<163840xf32, #tpu.memory_space<vmem_shared>> -> memref<640xf32, #tpu.memory_space<vmem_shared>>
      tpu.wait_dma2 semaphore(%run_scoped3A : memref<!tpu.dma_semaphore, #tpu.memory_space<semaphore_mem>>) src(%dma_wait3A_177 : memref<640xf32, #tpu.memory_space<vmem_shared>>) dst(%arg7 : memref<640xf32, #tpu.memory_space<vmem>>)
      tpu.yield
    }) : () -> ()
    %scan3A_115 = arith.constant 0 : i32
    %scan3A_116 = arith.constant 0 : i32
    %scan3A_117 = arith.constant 40 : i32
    %scan3A_118 = arith.addi %scan3A_116, %scan3A_117 : i32
    %scan3A_119 = arith.constant 1 : i32
    scf.for %scan3A_176 = %scan3A_116 to %scan3A_118 step %scan3A_119  : i32 {
      %mul3A_177 = arith.constant 16 : i32
      %mul3A_178 = arith.muli %scan3A_176, %mul3A_177 : i32
      %get3A = arith.index_cast %mul3A_178 : i32 to index
      %get3A_179 = tpu.vector_load %arg8[%get3A] {strides = array<i32>} : memref<640xf32, #tpu.memory_space<vmem>>, vector<16xf32>,
      %get3A_180 = arith.index_cast %mul3A_178 : i32 to index
      %get3A_181 = tpu.vector_load %arg7[%get3A_180] {strides = array<i32>} : memref<640xf32, #tpu.memory_space<vmem>>, vector<16xf32>,
      %add3A_182 = arith.addf %get3A_179, %get3A_181 : vector<16xf32>
      %swap3A = arith.index_cast %mul3A_178 : i32 to index
      %swap3A_183 = tpu.vector_load %arg8[%swap3A] {strides = array<i32>} : memref<640xf32, #tpu.memory_space<vmem>>, vector<16xf32>,
      tpu.vector_store %arg8[%swap3A], %add3A_182 {strides = array<i32>} : memref<640xf32, #tpu.memory_space<vmem>>, vector<16xf32>,
    }
    %scan3A_120 = arith.constant 40 : i32
    %mul3A_121 = arith.constant 640 : i32
    %mul3A_122 = arith.muli %arg1, %mul3A_121 : i32
    %add3A_123 = arith.constant 112640 : i32
    %add3A_124 = arith.addi %add3A_123, %mul3A_122 : i32
    "tpu.region"() ({
      %run_scoped3A = tpu.sem_alloc : memref<!tpu.dma_semaphore, #tpu.memory_space<semaphore_mem>>
      %dma_start3A = tpu.memref_slice %arg9[%add3A_124] : memref<163840xf32, #tpu.memory_space<vmem_shared>> -> memref<640xf32, #tpu.memory_space<vmem_shared>>
      %dma_start3A_176 = tpu.memref_slice %arg9[%add3A_124] : memref<163840xf32, #tpu.memory_space<vmem_shared>> -> memref<640xf32, #tpu.memory_space<vmem_shared>>
      tpu.enqueue_dma source(%dma_start3A_176 : memref<640xf32, #tpu.memory_space<vmem_shared>>) target(%arg7 : memref<640xf32, #tpu.memory_space<vmem>>) target_semaphore(%run_scoped3A : memref<!tpu.dma_semaphore, #tpu.memory_space<semaphore_mem>>)
      %dma_wait3A = tpu.memref_slice %arg9[%add3A_124] : memref<163840xf32, #tpu.memory_space<vmem_shared>> -> memref<640xf32, #tpu.memory_space<vmem_shared>>
      %dma_wait3A_177 = tpu.memref_slice %arg9[%add3A_124] : memref<163840xf32, #tpu.memory_space<vmem_shared>> -> memref<640xf32, #tpu.memory_space<vmem_shared>>
      tpu.wait_dma2 semaphore(%run_scoped3A : memref<!tpu.dma_semaphore, #tpu.memory_space<semaphore_mem>>) src(%dma_wait3A_177 : memref<640xf32, #tpu.memory_space<vmem_shared>>) dst(%arg7 : memref<640xf32, #tpu.memory_space<vmem>>)
      tpu.yield
    }) : () -> ()
    %scan3A_125 = arith.constant 0 : i32
    %scan3A_126 = arith.constant 0 : i32
    %scan3A_127 = arith.constant 40 : i32
    %scan3A_128 = arith.addi %scan3A_126, %scan3A_127 : i32
    %scan3A_129 = arith.constant 1 : i32
    scf.for %scan3A_176 = %scan3A_126 to %scan3A_128 step %scan3A_129  : i32 {
      %mul3A_177 = arith.constant 16 : i32
      %mul3A_178 = arith.muli %scan3A_176, %mul3A_177 : i32
      %get3A = arith.index_cast %mul3A_178 : i32 to index
      %get3A_179 = tpu.vector_load %arg8[%get3A] {strides = array<i32>} : memref<640xf32, #tpu.memory_space<vmem>>, vector<16xf32>,
      %get3A_180 = arith.index_cast %mul3A_178 : i32 to index
      %get3A_181 = tpu.vector_load %arg7[%get3A_180] {strides = array<i32>} : memref<640xf32, #tpu.memory_space<vmem>>, vector<16xf32>,
      %add3A_182 = arith.addf %get3A_179, %get3A_181 : vector<16xf32>
      %swap3A = arith.index_cast %mul3A_178 : i32 to index
      %swap3A_183 = tpu.vector_load %arg8[%swap3A] {strides = array<i32>} : memref<640xf32, #tpu.memory_space<vmem>>, vector<16xf32>,
      tpu.vector_store %arg8[%swap3A], %add3A_182 {strides = array<i32>} : memref<640xf32, #tpu.memory_space<vmem>>, vector<16xf32>,
    }
    %scan3A_130 = arith.constant 40 : i32
    %mul3A_131 = arith.constant 640 : i32
    %mul3A_132 = arith.muli %arg1, %mul3A_131 : i32
    %add3A_133 = arith.constant 122880 : i32
    %add3A_134 = arith.addi %add3A_133, %mul3A_132 : i32
    "tpu.region"() ({
      %run_scoped3A = tpu.sem_alloc : memref<!tpu.dma_semaphore, #tpu.memory_space<semaphore_mem>>
      %dma_start3A = tpu.memref_slice %arg9[%add3A_134] : memref<163840xf32, #tpu.memory_space<vmem_shared>> -> memref<640xf32, #tpu.memory_space<vmem_shared>>
      %dma_start3A_176 = tpu.memref_slice %arg9[%add3A_134] : memref<163840xf32, #tpu.memory_space<vmem_shared>> -> memref<640xf32, #tpu.memory_space<vmem_shared>>
      tpu.enqueue_dma source(%dma_start3A_176 : memref<640xf32, #tpu.memory_space<vmem_shared>>) target(%arg7 : memref<640xf32, #tpu.memory_space<vmem>>) target_semaphore(%run_scoped3A : memref<!tpu.dma_semaphore, #tpu.memory_space<semaphore_mem>>)
      %dma_wait3A = tpu.memref_slice %arg9[%add3A_134] : memref<163840xf32, #tpu.memory_space<vmem_shared>> -> memref<640xf32, #tpu.memory_space<vmem_shared>>
      %dma_wait3A_177 = tpu.memref_slice %arg9[%add3A_134] : memref<163840xf32, #tpu.memory_space<vmem_shared>> -> memref<640xf32, #tpu.memory_space<vmem_shared>>
      tpu.wait_dma2 semaphore(%run_scoped3A : memref<!tpu.dma_semaphore, #tpu.memory_space<semaphore_mem>>) src(%dma_wait3A_177 : memref<640xf32, #tpu.memory_space<vmem_shared>>) dst(%arg7 : memref<640xf32, #tpu.memory_space<vmem>>)
      tpu.yield
    }) : () -> ()
    %scan3A_135 = arith.constant 0 : i32
    %scan3A_136 = arith.constant 0 : i32
    %scan3A_137 = arith.constant 40 : i32
    %scan3A_138 = arith.addi %scan3A_136, %scan3A_137 : i32
    %scan3A_139 = arith.constant 1 : i32
    scf.for %scan3A_176 = %scan3A_136 to %scan3A_138 step %scan3A_139  : i32 {
      %mul3A_177 = arith.constant 16 : i32
      %mul3A_178 = arith.muli %scan3A_176, %mul3A_177 : i32
      %get3A = arith.index_cast %mul3A_178 : i32 to index
      %get3A_179 = tpu.vector_load %arg8[%get3A] {strides = array<i32>} : memref<640xf32, #tpu.memory_space<vmem>>, vector<16xf32>,
      %get3A_180 = arith.index_cast %mul3A_178 : i32 to index
      %get3A_181 = tpu.vector_load %arg7[%get3A_180] {strides = array<i32>} : memref<640xf32, #tpu.memory_space<vmem>>, vector<16xf32>,
      %add3A_182 = arith.addf %get3A_179, %get3A_181 : vector<16xf32>
      %swap3A = arith.index_cast %mul3A_178 : i32 to index
      %swap3A_183 = tpu.vector_load %arg8[%swap3A] {strides = array<i32>} : memref<640xf32, #tpu.memory_space<vmem>>, vector<16xf32>,
      tpu.vector_store %arg8[%swap3A], %add3A_182 {strides = array<i32>} : memref<640xf32, #tpu.memory_space<vmem>>, vector<16xf32>,
    }
    %scan3A_140 = arith.constant 40 : i32
    %mul3A_141 = arith.constant 640 : i32
    %mul3A_142 = arith.muli %arg1, %mul3A_141 : i32
    %add3A_143 = arith.constant 133120 : i32
    %add3A_144 = arith.addi %add3A_143, %mul3A_142 : i32
    "tpu.region"() ({
      %run_scoped3A = tpu.sem_alloc : memref<!tpu.dma_semaphore, #tpu.memory_space<semaphore_mem>>
      %dma_start3A = tpu.memref_slice %arg9[%add3A_144] : memref<163840xf32, #tpu.memory_space<vmem_shared>> -> memref<640xf32, #tpu.memory_space<vmem_shared>>
      %dma_start3A_176 = tpu.memref_slice %arg9[%add3A_144] : memref<163840xf32, #tpu.memory_space<vmem_shared>> -> memref<640xf32, #tpu.memory_space<vmem_shared>>
      tpu.enqueue_dma source(%dma_start3A_176 : memref<640xf32, #tpu.memory_space<vmem_shared>>) target(%arg7 : memref<640xf32, #tpu.memory_space<vmem>>) target_semaphore(%run_scoped3A : memref<!tpu.dma_semaphore, #tpu.memory_space<semaphore_mem>>)
      %dma_wait3A = tpu.memref_slice %arg9[%add3A_144] : memref<163840xf32, #tpu.memory_space<vmem_shared>> -> memref<640xf32, #tpu.memory_space<vmem_shared>>
      %dma_wait3A_177 = tpu.memref_slice %arg9[%add3A_144] : memref<163840xf32, #tpu.memory_space<vmem_shared>> -> memref<640xf32, #tpu.memory_space<vmem_shared>>
      tpu.wait_dma2 semaphore(%run_scoped3A : memref<!tpu.dma_semaphore, #tpu.memory_space<semaphore_mem>>) src(%dma_wait3A_177 : memref<640xf32, #tpu.memory_space<vmem_shared>>) dst(%arg7 : memref<640xf32, #tpu.memory_space<vmem>>)
      tpu.yield
    }) : () -> ()
    %scan3A_145 = arith.constant 0 : i32
    %scan3A_146 = arith.constant 0 : i32
    %scan3A_147 = arith.constant 40 : i32
    %scan3A_148 = arith.addi %scan3A_146, %scan3A_147 : i32
    %scan3A_149 = arith.constant 1 : i32
    scf.for %scan3A_176 = %scan3A_146 to %scan3A_148 step %scan3A_149  : i32 {
      %mul3A_177 = arith.constant 16 : i32
      %mul3A_178 = arith.muli %scan3A_176, %mul3A_177 : i32
      %get3A = arith.index_cast %mul3A_178 : i32 to index
      %get3A_179 = tpu.vector_load %arg8[%get3A] {strides = array<i32>} : memref<640xf32, #tpu.memory_space<vmem>>, vector<16xf32>,
      %get3A_180 = arith.index_cast %mul3A_178 : i32 to index
      %get3A_181 = tpu.vector_load %arg7[%get3A_180] {strides = array<i32>} : memref<640xf32, #tpu.memory_space<vmem>>, vector<16xf32>,
      %add3A_182 = arith.addf %get3A_179, %get3A_181 : vector<16xf32>
      %swap3A = arith.index_cast %mul3A_178 : i32 to index
      %swap3A_183 = tpu.vector_load %arg8[%swap3A] {strides = array<i32>} : memref<640xf32, #tpu.memory_space<vmem>>, vector<16xf32>,
      tpu.vector_store %arg8[%swap3A], %add3A_182 {strides = array<i32>} : memref<640xf32, #tpu.memory_space<vmem>>, vector<16xf32>,
    }
    %scan3A_150 = arith.constant 40 : i32
    %mul3A_151 = arith.constant 640 : i32
    %mul3A_152 = arith.muli %arg1, %mul3A_151 : i32
    %add3A_153 = arith.constant 143360 : i32
    %add3A_154 = arith.addi %add3A_153, %mul3A_152 : i32
    "tpu.region"() ({
      %run_scoped3A = tpu.sem_alloc : memref<!tpu.dma_semaphore, #tpu.memory_space<semaphore_mem>>
      %dma_start3A = tpu.memref_slice %arg9[%add3A_154] : memref<163840xf32, #tpu.memory_space<vmem_shared>> -> memref<640xf32, #tpu.memory_space<vmem_shared>>
      %dma_start3A_176 = tpu.memref_slice %arg9[%add3A_154] : memref<163840xf32, #tpu.memory_space<vmem_shared>> -> memref<640xf32, #tpu.memory_space<vmem_shared>>
      tpu.enqueue_dma source(%dma_start3A_176 : memref<640xf32, #tpu.memory_space<vmem_shared>>) target(%arg7 : memref<640xf32, #tpu.memory_space<vmem>>) target_semaphore(%run_scoped3A : memref<!tpu.dma_semaphore, #tpu.memory_space<semaphore_mem>>)
      %dma_wait3A = tpu.memref_slice %arg9[%add3A_154] : memref<163840xf32, #tpu.memory_space<vmem_shared>> -> memref<640xf32, #tpu.memory_space<vmem_shared>>
      %dma_wait3A_177 = tpu.memref_slice %arg9[%add3A_154] : memref<163840xf32, #tpu.memory_space<vmem_shared>> -> memref<640xf32, #tpu.memory_space<vmem_shared>>
      tpu.wait_dma2 semaphore(%run_scoped3A : memref<!tpu.dma_semaphore, #tpu.memory_space<semaphore_mem>>) src(%dma_wait3A_177 : memref<640xf32, #tpu.memory_space<vmem_shared>>) dst(%arg7 : memref<640xf32, #tpu.memory_space<vmem>>)
      tpu.yield
    }) : () -> ()
    %scan3A_155 = arith.constant 0 : i32
    %scan3A_156 = arith.constant 0 : i32
    %scan3A_157 = arith.constant 40 : i32
    %scan3A_158 = arith.addi %scan3A_156, %scan3A_157 : i32
    %scan3A_159 = arith.constant 1 : i32
    scf.for %scan3A_176 = %scan3A_156 to %scan3A_158 step %scan3A_159  : i32 {
      %mul3A_177 = arith.constant 16 : i32
      %mul3A_178 = arith.muli %scan3A_176, %mul3A_177 : i32
      %get3A = arith.index_cast %mul3A_178 : i32 to index
      %get3A_179 = tpu.vector_load %arg8[%get3A] {strides = array<i32>} : memref<640xf32, #tpu.memory_space<vmem>>, vector<16xf32>,
      %get3A_180 = arith.index_cast %mul3A_178 : i32 to index
      %get3A_181 = tpu.vector_load %arg7[%get3A_180] {strides = array<i32>} : memref<640xf32, #tpu.memory_space<vmem>>, vector<16xf32>,
      %add3A_182 = arith.addf %get3A_179, %get3A_181 : vector<16xf32>
      %swap3A = arith.index_cast %mul3A_178 : i32 to index
      %swap3A_183 = tpu.vector_load %arg8[%swap3A] {strides = array<i32>} : memref<640xf32, #tpu.memory_space<vmem>>, vector<16xf32>,
      tpu.vector_store %arg8[%swap3A], %add3A_182 {strides = array<i32>} : memref<640xf32, #tpu.memory_space<vmem>>, vector<16xf32>,
    }
    %scan3A_160 = arith.constant 40 : i32
    %mul3A_161 = arith.constant 640 : i32
    %mul3A_162 = arith.muli %arg1, %mul3A_161 : i32
    %add3A_163 = arith.constant 153600 : i32
    %add3A_164 = arith.addi %add3A_163, %mul3A_162 : i32
    "tpu.region"() ({
      %run_scoped3A = tpu.sem_alloc : memref<!tpu.dma_semaphore, #tpu.memory_space<semaphore_mem>>
      %dma_start3A = tpu.memref_slice %arg9[%add3A_164] : memref<163840xf32, #tpu.memory_space<vmem_shared>> -> memref<640xf32, #tpu.memory_space<vmem_shared>>
      %dma_start3A_176 = tpu.memref_slice %arg9[%add3A_164] : memref<163840xf32, #tpu.memory_space<vmem_shared>> -> memref<640xf32, #tpu.memory_space<vmem_shared>>
      tpu.enqueue_dma source(%dma_start3A_176 : memref<640xf32, #tpu.memory_space<vmem_shared>>) target(%arg7 : memref<640xf32, #tpu.memory_space<vmem>>) target_semaphore(%run_scoped3A : memref<!tpu.dma_semaphore, #tpu.memory_space<semaphore_mem>>)
      %dma_wait3A = tpu.memref_slice %arg9[%add3A_164] : memref<163840xf32, #tpu.memory_space<vmem_shared>> -> memref<640xf32, #tpu.memory_space<vmem_shared>>
      %dma_wait3A_177 = tpu.memref_slice %arg9[%add3A_164] : memref<163840xf32, #tpu.memory_space<vmem_shared>> -> memref<640xf32, #tpu.memory_space<vmem_shared>>
      tpu.wait_dma2 semaphore(%run_scoped3A : memref<!tpu.dma_semaphore, #tpu.memory_space<semaphore_mem>>) src(%dma_wait3A_177 : memref<640xf32, #tpu.memory_space<vmem_shared>>) dst(%arg7 : memref<640xf32, #tpu.memory_space<vmem>>)
      tpu.yield
    }) : () -> ()
    %scan3A_165 = arith.constant 0 : i32
    %scan3A_166 = arith.constant 0 : i32
    %scan3A_167 = arith.constant 40 : i32
    %scan3A_168 = arith.addi %scan3A_166, %scan3A_167 : i32
    %scan3A_169 = arith.constant 1 : i32
    scf.for %scan3A_176 = %scan3A_166 to %scan3A_168 step %scan3A_169  : i32 {
      %mul3A_177 = arith.constant 16 : i32
      %mul3A_178 = arith.muli %scan3A_176, %mul3A_177 : i32
      %get3A = arith.index_cast %mul3A_178 : i32 to index
      %get3A_179 = tpu.vector_load %arg8[%get3A] {strides = array<i32>} : memref<640xf32, #tpu.memory_space<vmem>>, vector<16xf32>,
      %get3A_180 = arith.index_cast %mul3A_178 : i32 to index
      %get3A_181 = tpu.vector_load %arg7[%get3A_180] {strides = array<i32>} : memref<640xf32, #tpu.memory_space<vmem>>, vector<16xf32>,
      %add3A_182 = arith.addf %get3A_179, %get3A_181 : vector<16xf32>
      %swap3A = arith.index_cast %mul3A_178 : i32 to index
      %swap3A_183 = tpu.vector_load %arg8[%swap3A] {strides = array<i32>} : memref<640xf32, #tpu.memory_space<vmem>>, vector<16xf32>,
      tpu.vector_store %arg8[%swap3A], %add3A_182 {strides = array<i32>} : memref<640xf32, #tpu.memory_space<vmem>>, vector<16xf32>,
    }
    %scan3A_170 = arith.constant 40 : i32
    %mul3A_171 = arith.constant 10240 : i32
    %mul3A_172 = arith.muli %arg0, %mul3A_171 : i32
    %mul3A_173 = arith.constant 640 : i32
    %mul3A_174 = arith.muli %arg1, %mul3A_173 : i32
    %add3A_175 = arith.addi %mul3A_172, %mul3A_174 : i32
    "tpu.region"() ({
      %run_scoped3A = tpu.sem_alloc : memref<!tpu.dma_semaphore, #tpu.memory_space<semaphore_mem>>
      %dma_start3A = tpu.memref_slice %arg4[%add3A_175] : memref<20480xf32, #tpu.memory_space<hbm>> -> memref<640xf32, #tpu.memory_space<hbm>>
      %dma_start3A_176 = tpu.memref_slice %arg4[%add3A_175] : memref<20480xf32, #tpu.memory_space<hbm>> -> memref<640xf32, #tpu.memory_space<hbm>>
      tpu.enqueue_dma source(%arg8 : memref<640xf32, #tpu.memory_space<vmem>>) target(%dma_start3A_176 : memref<640xf32, #tpu.memory_space<hbm>>) target_semaphore(%run_scoped3A : memref<!tpu.dma_semaphore, #tpu.memory_space<semaphore_mem>>)
      %dma_wait3A = tpu.memref_slice %arg4[%add3A_175] : memref<20480xf32, #tpu.memory_space<hbm>> -> memref<640xf32, #tpu.memory_space<hbm>>
      %dma_wait3A_177 = tpu.memref_slice %arg4[%add3A_175] : memref<20480xf32, #tpu.memory_space<hbm>> -> memref<640xf32, #tpu.memory_space<hbm>>
      tpu.wait_dma2 semaphore(%run_scoped3A : memref<!tpu.dma_semaphore, #tpu.memory_space<semaphore_mem>>) src(%arg8 : memref<640xf32, #tpu.memory_space<vmem>>) dst(%dma_wait3A_177 : memref<640xf32, #tpu.memory_space<hbm>>)
      tpu.yield
    }) : () -> ()
    return
  }
}

#map = affine_map<(d0, d1) -> (0)>
#map1 = affine_map<(d0, d1) -> (0, 0)>
#map2 = affine_map<(d0, d1) -> (0, 0, 0)>
module attributes {stable_mosaic.version = 14 : i64} {
  func.func @_scatter_body(%arg0: i32, %arg1: i32, %arg2: memref<643072xi32, #tpu.memory_space<hbm>>, %arg3: memref<643072xi32, #tpu.memory_space<hbm>>, %arg4: memref<20000x128xf32, #tpu.memory_space<hbm>>, %arg5: memref<640x128xf32, #tpu.memory_space<hbm>>, %arg6: memref<2x10240x128xf32, #tpu.memory_space<hbm>>, %arg7: memref<128xi32, #tpu.memory_space<vmem>>, %arg8: memref<128xi32, #tpu.memory_space<vmem>>, %arg9: memref<128x128xf32, #tpu.memory_space<vmem>>, %arg10: memref<!tpu.dma_semaphore, #tpu.memory_space<semaphore_mem>>, %arg11: memref<10240x128xf32, #tpu.memory_space<vmem_shared>>) attributes {dimension_semantics = [#tpu.dimension_semantics<core_parallel>, #tpu.dimension_semantics<subcore_parallel>], iteration_bounds = array<i64: 2, 16>, scalar_prefetch = 0 : i64, scratch_operands = 5 : i64, tpu.core_type = #tpu.core_type<sc_vector_subcore>, window_params = [{transform_indices = #map}, {transform_indices = #map}, {transform_indices = #map1}, {transform_indices = #map1}, {transform_indices = #map2}]} {
    %mul3A = arith.constant 16 : i32
    %mul3A_0 = arith.muli %arg0, %mul3A : i32
    %add3A = arith.addi %mul3A_0, %arg1 : i32
    %mul3A_1 = arith.constant 157 : i32
    %mul3A_2 = arith.muli %add3A, %mul3A_1 : i32
    %mul3A_3 = arith.constant 128 : i32
    %mul3A_4 = arith.muli %mul3A_2, %mul3A_3 : i32
    %mul3A_5 = arith.constant 640 : i32
    %mul3A_6 = arith.muli %arg1, %mul3A_5 : i32
    "tpu.region"() ({
      %run_scoped3A = tpu.sem_alloc : memref<!tpu.dma_semaphore, #tpu.memory_space<semaphore_mem>>
      %dma_start3A = arith.constant 0 : i32
      %dma_start3A_17 = tpu.memref_slice %arg11[%mul3A_6, %dma_start3A] : memref<10240x128xf32, #tpu.memory_space<vmem_shared>> -> memref<640x128xf32, #tpu.memory_space<vmem_shared>>
      tpu.enqueue_dma source(%arg5 : memref<640x128xf32, #tpu.memory_space<hbm>>) target(%dma_start3A_17 : memref<640x128xf32, #tpu.memory_space<vmem_shared>>) target_semaphore(%run_scoped3A : memref<!tpu.dma_semaphore, #tpu.memory_space<semaphore_mem>>)
      %dma_wait3A = arith.constant 0 : i32
      %dma_wait3A_18 = tpu.memref_slice %arg11[%mul3A_6, %dma_wait3A] : memref<10240x128xf32, #tpu.memory_space<vmem_shared>> -> memref<640x128xf32, #tpu.memory_space<vmem_shared>>
      tpu.wait_dma2 semaphore(%run_scoped3A : memref<!tpu.dma_semaphore, #tpu.memory_space<semaphore_mem>>) src(%arg5 : memref<640x128xf32, #tpu.memory_space<hbm>>) dst(%dma_wait3A_18 : memref<640x128xf32, #tpu.memory_space<vmem_shared>>)
      tpu.yield
    }) : () -> ()
    %barrier3A = arith.constant 0 : index
    tpu.barrier barrier_id(%barrier3A)
    %scan3A = arith.constant 0 : i32
    %scan3A_7 = arith.constant 0 : i32
    %scan3A_8 = arith.constant 157 : i32
    %scan3A_9 = arith.addi %scan3A_7, %scan3A_8 : i32
    %scan3A_10 = arith.constant 1 : i32
    scf.for %scan3A_17 = %scan3A_7 to %scan3A_9 step %scan3A_10  : i32 {
      %mul3A_18 = arith.constant 128 : i32
      %mul3A_19 = arith.muli %scan3A_17, %mul3A_18 : i32
      %add3A_20 = arith.addi %mul3A_4, %mul3A_19 : i32
      "tpu.region"() ({
        %run_scoped3A = tpu.sem_alloc : memref<!tpu.dma_semaphore, #tpu.memory_space<semaphore_mem>>
        %dma_start3A_28 = tpu.memref_slice %arg2[%add3A_20] : memref<643072xi32, #tpu.memory_space<hbm>> -> memref<128xi32, #tpu.memory_space<hbm>>
        %dma_start3A_29 = tpu.memref_slice %arg2[%add3A_20] : memref<643072xi32, #tpu.memory_space<hbm>> -> memref<128xi32, #tpu.memory_space<hbm>>
        tpu.enqueue_dma source(%dma_start3A_29 : memref<128xi32, #tpu.memory_space<hbm>>) target(%arg7 : memref<128xi32, #tpu.memory_space<vmem>>) target_semaphore(%run_scoped3A : memref<!tpu.dma_semaphore, #tpu.memory_space<semaphore_mem>>)
        %dma_wait3A_30 = tpu.memref_slice %arg2[%add3A_20] : memref<643072xi32, #tpu.memory_space<hbm>> -> memref<128xi32, #tpu.memory_space<hbm>>
        %dma_wait3A_31 = tpu.memref_slice %arg2[%add3A_20] : memref<643072xi32, #tpu.memory_space<hbm>> -> memref<128xi32, #tpu.memory_space<hbm>>
        tpu.wait_dma2 semaphore(%run_scoped3A : memref<!tpu.dma_semaphore, #tpu.memory_space<semaphore_mem>>) src(%dma_wait3A_31 : memref<128xi32, #tpu.memory_space<hbm>>) dst(%arg7 : memref<128xi32, #tpu.memory_space<vmem>>)
        tpu.yield
      }) : () -> ()
      %mul3A_21 = arith.constant 128 : i32
      %mul3A_22 = arith.muli %scan3A_17, %mul3A_21 : i32
      %add3A_23 = arith.addi %mul3A_4, %mul3A_22 : i32
      "tpu.region"() ({
        %run_scoped3A = tpu.sem_alloc : memref<!tpu.dma_semaphore, #tpu.memory_space<semaphore_mem>>
        %dma_start3A_28 = tpu.memref_slice %arg3[%add3A_23] : memref<643072xi32, #tpu.memory_space<hbm>> -> memref<128xi32, #tpu.memory_space<hbm>>
        %dma_start3A_29 = tpu.memref_slice %arg3[%add3A_23] : memref<643072xi32, #tpu.memory_space<hbm>> -> memref<128xi32, #tpu.memory_space<hbm>>
        tpu.enqueue_dma source(%dma_start3A_29 : memref<128xi32, #tpu.memory_space<hbm>>) target(%arg8 : memref<128xi32, #tpu.memory_space<vmem>>) target_semaphore(%run_scoped3A : memref<!tpu.dma_semaphore, #tpu.memory_space<semaphore_mem>>)
        %dma_wait3A_30 = tpu.memref_slice %arg3[%add3A_23] : memref<643072xi32, #tpu.memory_space<hbm>> -> memref<128xi32, #tpu.memory_space<hbm>>
        %dma_wait3A_31 = tpu.memref_slice %arg3[%add3A_23] : memref<643072xi32, #tpu.memory_space<hbm>> -> memref<128xi32, #tpu.memory_space<hbm>>
        tpu.wait_dma2 semaphore(%run_scoped3A : memref<!tpu.dma_semaphore, #tpu.memory_space<semaphore_mem>>) src(%dma_wait3A_31 : memref<128xi32, #tpu.memory_space<hbm>>) dst(%arg8 : memref<128xi32, #tpu.memory_space<vmem>>)
        tpu.yield
      }) : () -> ()
      %dma_start3A = arith.constant 0 : i32
      %dma_start3A_24 = arith.constant 0 : i32
      %dma_start3A_25 = tpu.memref_slice %arg4[%dma_start3A, %dma_start3A_24] : memref<20000x128xf32, #tpu.memory_space<hbm>> -> memref<20000x128xf32, #tpu.memory_space<hbm>>
      tpu.enqueue_indirect_dma source(%dma_start3A_25 : memref<20000x128xf32, #tpu.memory_space<hbm>>) target(%arg9 : memref<128x128xf32, #tpu.memory_space<vmem>>) offsets(%arg7 : memref<128xi32, #tpu.memory_space<vmem>>) semaphore(%arg10 : memref<!tpu.dma_semaphore, #tpu.memory_space<semaphore_mem>>)
      %dma_wait3A = arith.constant 0 : i32
      %dma_wait3A_26 = arith.constant 0 : i32
      %dma_wait3A_27 = tpu.memref_slice %arg4[%dma_wait3A, %dma_wait3A_26] : memref<20000x128xf32, #tpu.memory_space<hbm>> -> memref<20000x128xf32, #tpu.memory_space<hbm>>
      tpu.wait_indirect_dma semaphore(%arg10 : memref<!tpu.dma_semaphore, #tpu.memory_space<semaphore_mem>>) src(%dma_wait3A_27 : memref<20000x128xf32, #tpu.memory_space<hbm>>) dst(%arg9 : memref<128x128xf32, #tpu.memory_space<vmem>>)
      "tpu.region"() ({
        %run_scoped3A = tpu.sem_alloc : memref<!tpu.dma_semaphore, #tpu.memory_space<semaphore_mem>>
        %dma_start3A_28 = arith.constant 0 : i32
        %dma_start3A_29 = arith.constant 0 : i32
        %dma_start3A_30 = tpu.memref_slice %arg11[%dma_start3A_28, %dma_start3A_29] : memref<10240x128xf32, #tpu.memory_space<vmem_shared>> -> memref<10240x128xf32, #tpu.memory_space<vmem_shared>>
        tpu.enqueue_indirect_dma source(%arg9 : memref<128x128xf32, #tpu.memory_space<vmem>>) target(%dma_start3A_30 : memref<10240x128xf32, #tpu.memory_space<vmem_shared>>) offsets(%arg8 : memref<128xi32, #tpu.memory_space<vmem>>) semaphore(%run_scoped3A : memref<!tpu.dma_semaphore, #tpu.memory_space<semaphore_mem>>) {add = true}
        %dma_wait3A_31 = arith.constant 0 : i32
        %dma_wait3A_32 = arith.constant 0 : i32
        %dma_wait3A_33 = tpu.memref_slice %arg11[%dma_wait3A_31, %dma_wait3A_32] : memref<10240x128xf32, #tpu.memory_space<vmem_shared>> -> memref<10240x128xf32, #tpu.memory_space<vmem_shared>>
        tpu.wait_indirect_dma semaphore(%run_scoped3A : memref<!tpu.dma_semaphore, #tpu.memory_space<semaphore_mem>>) src(%arg9 : memref<128x128xf32, #tpu.memory_space<vmem>>) dst(%dma_wait3A_33 : memref<10240x128xf32, #tpu.memory_space<vmem_shared>>)
        tpu.yield
      }) : () -> ()
    }
    %scan3A_11 = arith.constant 157 : i32
    %barrier3A_12 = arith.constant 0 : index
    tpu.barrier barrier_id(%barrier3A_12)
    %mul3A_13 = arith.constant 640 : i32
    %mul3A_14 = arith.muli %arg1, %mul3A_13 : i32
    %mul3A_15 = arith.constant 640 : i32
    %mul3A_16 = arith.muli %arg1, %mul3A_15 : i32
    "tpu.region"() ({
      %run_scoped3A = tpu.sem_alloc : memref<!tpu.dma_semaphore, #tpu.memory_space<semaphore_mem>>
      %dma_start3A = arith.constant 0 : i32
      %dma_start3A_17 = tpu.memref_slice %arg6[%arg0, %mul3A_16, %dma_start3A] : memref<2x10240x128xf32, #tpu.memory_space<hbm>> -> memref<1x640x128xf32, #tpu.memory_space<hbm>>
      %dma_start3A_18 = tpu.memref_squeeze %dma_start3A_17 : memref<1x640x128xf32, #tpu.memory_space<hbm>> -> memref<640x128xf32, #tpu.memory_space<hbm>>
      %dma_start3A_19 = arith.constant 0 : i32
      %dma_start3A_20 = tpu.memref_slice %arg11[%mul3A_14, %dma_start3A_19] : memref<10240x128xf32, #tpu.memory_space<vmem_shared>> -> memref<640x128xf32, #tpu.memory_space<vmem_shared>>
      tpu.enqueue_dma source(%dma_start3A_20 : memref<640x128xf32, #tpu.memory_space<vmem_shared>>) target(%dma_start3A_18 : memref<640x128xf32, #tpu.memory_space<hbm>>) target_semaphore(%run_scoped3A : memref<!tpu.dma_semaphore, #tpu.memory_space<semaphore_mem>>)
      %dma_wait3A = arith.constant 0 : i32
      %dma_wait3A_21 = tpu.memref_slice %arg6[%arg0, %mul3A_16, %dma_wait3A] : memref<2x10240x128xf32, #tpu.memory_space<hbm>> -> memref<1x640x128xf32, #tpu.memory_space<hbm>>
      %dma_wait3A_22 = tpu.memref_squeeze %dma_wait3A_21 : memref<1x640x128xf32, #tpu.memory_space<hbm>> -> memref<640x128xf32, #tpu.memory_space<hbm>>
      %dma_wait3A_23 = arith.constant 0 : i32
      %dma_wait3A_24 = tpu.memref_slice %arg11[%mul3A_14, %dma_wait3A_23] : memref<10240x128xf32, #tpu.memory_space<vmem_shared>> -> memref<640x128xf32, #tpu.memory_space<vmem_shared>>
      tpu.wait_dma2 semaphore(%run_scoped3A : memref<!tpu.dma_semaphore, #tpu.memory_space<semaphore_mem>>) src(%dma_wait3A_24 : memref<640x128xf32, #tpu.memory_space<vmem_shared>>) dst(%dma_wait3A_22 : memref<640x128xf32, #tpu.memory_space<hbm>>)
      tpu.yield
    }) : () -> ()
    return
  }
}

module attributes {stable_mosaic.version = 14 : i64} {
  func.func @_tc_transform_body(%arg0: i32, %arg1: memref<2000x128xf32, #tpu.memory_space<vmem>>, %arg2: memref<128x128xf32, #tpu.memory_space<vmem>>, %arg3: memref<128x128xf32, #tpu.memory_space<vmem>>, %arg4: memref<2000x1xf32, #tpu.memory_space<vmem>>, %arg5: memref<2000x1xf32, #tpu.memory_space<vmem>>, %arg6: memref<2x2000x128xf32, #tpu.memory_space<vmem>>) attributes {dimension_semantics = [#tpu.dimension_semantics<arbitrary>], iteration_bounds = array<i64: 5>, scalar_prefetch = 0 : i64, scratch_operands = 0 : i64, tpu.core_type = #tpu.core_type<tc>, window_params = [{transform_indices = @transform_0, window_bounds = array<i64: 2000, 128>}, {pipeline_mode = #tpu.pipeline_mode<synchronous>, transform_indices = @transform_1, window_bounds = array<i64: 128, 128>}, {pipeline_mode = #tpu.pipeline_mode<synchronous>, transform_indices = @transform_2, window_bounds = array<i64: 128, 128>}, {transform_indices = @transform_3, window_bounds = array<i64: 2000, 1>}, {transform_indices = @transform_4, window_bounds = array<i64: 2000, 1>}, {transform_indices = @transform_5, window_bounds = array<i64: 2, 2000, 128>}]} {
    %get3A = arith.constant 0 : index
    %get3A_0 = arith.constant 0 : index
    %get3A_1 = vector.load %arg1[%get3A, %get3A_0] : memref<2000x128xf32, #tpu.memory_space<vmem>>, vector<2000x128xf32>
    %get3A_2 = arith.constant 0 : index
    %get3A_3 = arith.constant 0 : index
    %get3A_4 = vector.load %arg5[%get3A_2, %get3A_3] : memref<2000x1xf32, #tpu.memory_space<vmem>>, vector<2000x1xf32>
    %gt3A = arith.constant 0.000000e+00 : f32
    %gt3A_5 = vector.broadcast %gt3A : f32 to vector<2000x1xf32>
    %gt3A_6 = arith.cmpf ogt, %get3A_4, %gt3A_5 : vector<2000x1xf32>
    %max3A = arith.constant 1.000000e-30 : f32
    %max3A_7 = vector.broadcast %max3A : f32 to vector<2000x1xf32>
    %max3A_8 = arith.maximumf %get3A_4, %max3A_7 : vector<2000x1xf32>
    %rsqrt3A = math.rsqrt %max3A_8 : vector<2000x1xf32>
    %jit3A = arith.constant 0.000000e+00 : f32
    %broadcast_in_dim3A = vector.broadcast %jit3A : f32 to vector<2000x1xf32>
    %select_n3A = arith.select %gt3A_6, %rsqrt3A, %broadcast_in_dim3A : vector<2000x1xi1>, vector<2000x1xf32>
    %get3A_9 = arith.constant 0 : index
    %get3A_10 = arith.constant 0 : index
    %get3A_11 = vector.load %arg4[%get3A_9, %get3A_10] : memref<2000x1xf32, #tpu.memory_space<vmem>>, vector<2000x1xf32>
    %gt3A_12 = arith.constant 0.000000e+00 : f32
    %gt3A_13 = vector.broadcast %gt3A_12 : f32 to vector<2000x1xf32>
    %gt3A_14 = arith.cmpf ogt, %get3A_11, %gt3A_13 : vector<2000x1xf32>
    %max3A_15 = arith.constant 1.000000e-30 : f32
    %max3A_16 = vector.broadcast %max3A_15 : f32 to vector<2000x1xf32>
    %max3A_17 = arith.maximumf %get3A_11, %max3A_16 : vector<2000x1xf32>
    %rsqrt3A_18 = math.rsqrt %max3A_17 : vector<2000x1xf32>
    %jit3A_19 = arith.constant 0.000000e+00 : f32
    %broadcast_in_dim3A_20 = vector.broadcast %jit3A_19 : f32 to vector<2000x1xf32>
    %select_n3A_21 = arith.select %gt3A_14, %rsqrt3A_18, %broadcast_in_dim3A_20 : vector<2000x1xi1>, vector<2000x1xf32>
    %get3A_22 = arith.constant 0 : index
    %get3A_23 = arith.constant 0 : index
    %get3A_24 = vector.load %arg2[%get3A_22, %get3A_23] : memref<128x128xf32, #tpu.memory_space<vmem>>, vector<128x128xf32>
    %dot_general3A = arith.constant dense<0.000000e+00> : vector<2000x128xf32>
    %dot_general3A_25 = tpu.matmul %get3A_1, %get3A_24, %dot_general3A {dimension_numbers = #tpu.dot_dimension_numbers<[1], [1], [0], [0], [0, 0, 1, 0], [], []>, precision = #tpu.contract_precision<fp32>, transpose_lhs_hint = false} : vector<2000x128xf32>, vector<128x128xf32>, vector<2000x128xf32> -> vector<2000x128xf32>
    %mul3A = arith.constant 5.000000e-01 : f32
    %mul3A_26 = vector.broadcast %mul3A : f32 to vector<2000x128xf32>
    %mul3A_27 = arith.mulf %mul3A_26, %dot_general3A_25 : vector<2000x128xf32>
    %get3A_28 = arith.constant 0 : index
    %get3A_29 = arith.constant 0 : index
    %get3A_30 = vector.load %arg3[%get3A_28, %get3A_29] : memref<128x128xf32, #tpu.memory_space<vmem>>, vector<128x128xf32>
    %dot_general3A_31 = arith.constant dense<0.000000e+00> : vector<2000x128xf32>
    %dot_general3A_32 = tpu.matmul %get3A_1, %get3A_30, %dot_general3A_31 {dimension_numbers = #tpu.dot_dimension_numbers<[1], [1], [0], [0], [0, 0, 1, 0], [], []>, precision = #tpu.contract_precision<fp32>, transpose_lhs_hint = false} : vector<2000x128xf32>, vector<128x128xf32>, vector<2000x128xf32> -> vector<2000x128xf32>
    %mul3A_33 = arith.constant 5.000000e-01 : f32
    %mul3A_34 = vector.broadcast %mul3A_33 : f32 to vector<2000x128xf32>
    %mul3A_35 = arith.mulf %mul3A_34, %dot_general3A_32 : vector<2000x128xf32>
    %mul3A_36 = vector.broadcast %select_n3A : vector<2000x1xf32> to vector<2000x128xf32>
    %mul3A_37 = arith.mulf %mul3A_36, %mul3A_27 : vector<2000x128xf32>
    %swap3A = arith.constant 0 : index
    %swap3A_38 = arith.constant 0 : index
    %swap3A_39 = arith.constant 0 : index
    %swap3A_40 = vector.load %arg6[%swap3A, %swap3A_38, %swap3A_39] : memref<2x2000x128xf32, #tpu.memory_space<vmem>>, vector<1x2000x128xf32>
    %swap3A_41 = vector.shape_cast %swap3A_40 : vector<1x2000x128xf32> to vector<2000x128xf32>
    %swap3A_42 = vector.shape_cast %mul3A_37 : vector<2000x128xf32> to vector<1x2000x128xf32>
    tpu.vector_store %arg6[%swap3A, %swap3A_38, %swap3A_39], %swap3A_42 {strides = array<i32>} : memref<2x2000x128xf32, #tpu.memory_space<vmem>>, vector<1x2000x128xf32>,
    %mul3A_43 = vector.broadcast %select_n3A_21 : vector<2000x1xf32> to vector<2000x128xf32>
    %mul3A_44 = arith.mulf %mul3A_43, %mul3A_35 : vector<2000x128xf32>
    %swap3A_45 = arith.constant 1 : index
    %swap3A_46 = arith.constant 0 : index
    %swap3A_47 = arith.constant 0 : index
    %swap3A_48 = vector.load %arg6[%swap3A_45, %swap3A_46, %swap3A_47] : memref<2x2000x128xf32, #tpu.memory_space<vmem>>, vector<1x2000x128xf32>
    %swap3A_49 = vector.shape_cast %swap3A_48 : vector<1x2000x128xf32> to vector<2000x128xf32>
    %swap3A_50 = vector.shape_cast %mul3A_44 : vector<2000x128xf32> to vector<1x2000x128xf32>
    tpu.vector_store %arg6[%swap3A_45, %swap3A_46, %swap3A_47], %swap3A_50 {strides = array<i32>} : memref<2x2000x128xf32, #tpu.memory_space<vmem>>, vector<1x2000x128xf32>,
    return
  }
  func.func @transform_0(%arg0: i32) -> (i32, i32) {
    %c0_i32 = arith.constant 0 : i32
    %c0_i32_0 = arith.constant 0 : i32
    return %arg0, %c0_i32 : i32, i32
  }
  func.func @transform_1(%arg0: i32) -> (i32, i32) {
    %c0_i32 = arith.constant 0 : i32
    %c0_i32_0 = arith.constant 0 : i32
    %c0_i32_1 = arith.constant 0 : i32
    return %c0_i32, %c0_i32_0 : i32, i32
  }
  func.func @transform_2(%arg0: i32) -> (i32, i32) {
    %c0_i32 = arith.constant 0 : i32
    %c0_i32_0 = arith.constant 0 : i32
    %c0_i32_1 = arith.constant 0 : i32
    return %c0_i32, %c0_i32_0 : i32, i32
  }
  func.func @transform_3(%arg0: i32) -> (i32, i32) {
    %c0_i32 = arith.constant 0 : i32
    %c0_i32_0 = arith.constant 0 : i32
    return %arg0, %c0_i32 : i32, i32
  }
  func.func @transform_4(%arg0: i32) -> (i32, i32) {
    %c0_i32 = arith.constant 0 : i32
    %c0_i32_0 = arith.constant 0 : i32
    return %arg0, %c0_i32 : i32, i32
  }
  func.func @transform_5(%arg0: i32) -> (i32, i32, i32) {
    %c0_i32 = arith.constant 0 : i32
    %c0_i32_0 = arith.constant 0 : i32
    %c0_i32_1 = arith.constant 0 : i32
    return %c0_i32, %arg0, %c0_i32_0 : i32, i32, i32
  }
}

module attributes {stable_mosaic.version = 14 : i64} {
  func.func @_tc_combine_body(%arg0: i32, %arg1: memref<2x2000x128xf32, #tpu.memory_space<vmem>>, %arg2: memref<2000x1xf32, #tpu.memory_space<vmem>>, %arg3: memref<2000x1xf32, #tpu.memory_space<vmem>>, %arg4: memref<1x128xf32, #tpu.memory_space<vmem>>, %arg5: memref<1x128xf32, #tpu.memory_space<vmem>>, %arg6: memref<2000x128xf32, #tpu.memory_space<vmem>>) attributes {dimension_semantics = [#tpu.dimension_semantics<arbitrary>], iteration_bounds = array<i64: 5>, scalar_prefetch = 0 : i64, scratch_operands = 0 : i64, tpu.core_type = #tpu.core_type<tc>, window_params = [{transform_indices = @transform_0, window_bounds = array<i64: 2, 2000, 128>}, {transform_indices = @transform_1, window_bounds = array<i64: 2000, 1>}, {transform_indices = @transform_2, window_bounds = array<i64: 2000, 1>}, {pipeline_mode = #tpu.pipeline_mode<synchronous>, transform_indices = @transform_3, window_bounds = array<i64: 1, 128>}, {pipeline_mode = #tpu.pipeline_mode<synchronous>, transform_indices = @transform_4, window_bounds = array<i64: 1, 128>}, {transform_indices = @transform_5, window_bounds = array<i64: 2000, 128>}]} {
    %get3A = arith.constant 0 : index
    %get3A_0 = arith.constant 0 : index
    %get3A_1 = vector.load %arg2[%get3A, %get3A_0] : memref<2000x1xf32, #tpu.memory_space<vmem>>, vector<2000x1xf32>
    %gt3A = arith.constant 0.000000e+00 : f32
    %gt3A_2 = vector.broadcast %gt3A : f32 to vector<2000x1xf32>
    %gt3A_3 = arith.cmpf ogt, %get3A_1, %gt3A_2 : vector<2000x1xf32>
    %max3A = arith.constant 1.000000e-30 : f32
    %max3A_4 = vector.broadcast %max3A : f32 to vector<2000x1xf32>
    %max3A_5 = arith.maximumf %get3A_1, %max3A_4 : vector<2000x1xf32>
    %rsqrt3A = math.rsqrt %max3A_5 : vector<2000x1xf32>
    %jit3A = arith.constant 0.000000e+00 : f32
    %broadcast_in_dim3A = vector.broadcast %jit3A : f32 to vector<2000x1xf32>
    %select_n3A = arith.select %gt3A_3, %rsqrt3A, %broadcast_in_dim3A : vector<2000x1xi1>, vector<2000x1xf32>
    %get3A_6 = arith.constant 0 : index
    %get3A_7 = arith.constant 0 : index
    %get3A_8 = vector.load %arg3[%get3A_6, %get3A_7] : memref<2000x1xf32, #tpu.memory_space<vmem>>, vector<2000x1xf32>
    %gt3A_9 = arith.constant 0.000000e+00 : f32
    %gt3A_10 = vector.broadcast %gt3A_9 : f32 to vector<2000x1xf32>
    %gt3A_11 = arith.cmpf ogt, %get3A_8, %gt3A_10 : vector<2000x1xf32>
    %max3A_12 = arith.constant 1.000000e-30 : f32
    %max3A_13 = vector.broadcast %max3A_12 : f32 to vector<2000x1xf32>
    %max3A_14 = arith.maximumf %get3A_8, %max3A_13 : vector<2000x1xf32>
    %rsqrt3A_15 = math.rsqrt %max3A_14 : vector<2000x1xf32>
    %jit3A_16 = arith.constant 0.000000e+00 : f32
    %broadcast_in_dim3A_17 = vector.broadcast %jit3A_16 : f32 to vector<2000x1xf32>
    %select_n3A_18 = arith.select %gt3A_11, %rsqrt3A_15, %broadcast_in_dim3A_17 : vector<2000x1xi1>, vector<2000x1xf32>
    %get3A_19 = arith.constant 0 : index
    %get3A_20 = arith.constant 0 : index
    %get3A_21 = vector.load %arg4[%get3A_19, %get3A_20] : memref<1x128xf32, #tpu.memory_space<vmem>>, vector<1x128xf32>
    %mul3A = arith.constant 5.000000e-01 : f32
    %mul3A_22 = vector.broadcast %mul3A : f32 to vector<1x128xf32>
    %mul3A_23 = arith.mulf %mul3A_22, %get3A_21 : vector<1x128xf32>
    %get3A_24 = arith.constant 0 : index
    %get3A_25 = arith.constant 0 : index
    %get3A_26 = vector.load %arg5[%get3A_24, %get3A_25] : memref<1x128xf32, #tpu.memory_space<vmem>>, vector<1x128xf32>
    %mul3A_27 = arith.constant 5.000000e-01 : f32
    %mul3A_28 = vector.broadcast %mul3A_27 : f32 to vector<1x128xf32>
    %mul3A_29 = arith.mulf %mul3A_28, %get3A_26 : vector<1x128xf32>
    %add3A = arith.addf %mul3A_23, %mul3A_29 : vector<1x128xf32>
    %get3A_30 = arith.constant 0 : index
    %get3A_31 = arith.constant 0 : index
    %get3A_32 = arith.constant 0 : index
    %get3A_33 = vector.load %arg1[%get3A_30, %get3A_31, %get3A_32] : memref<2x2000x128xf32, #tpu.memory_space<vmem>>, vector<1x2000x128xf32>
    %get3A_34 = vector.shape_cast %get3A_33 : vector<1x2000x128xf32> to vector<2000x128xf32>
    %mul3A_35 = vector.broadcast %select_n3A : vector<2000x1xf32> to vector<2000x128xf32>
    %mul3A_36 = arith.mulf %mul3A_35, %get3A_34 : vector<2000x128xf32>
    %get3A_37 = arith.constant 1 : index
    %get3A_38 = arith.constant 0 : index
    %get3A_39 = arith.constant 0 : index
    %get3A_40 = vector.load %arg1[%get3A_37, %get3A_38, %get3A_39] : memref<2x2000x128xf32, #tpu.memory_space<vmem>>, vector<1x2000x128xf32>
    %get3A_41 = vector.shape_cast %get3A_40 : vector<1x2000x128xf32> to vector<2000x128xf32>
    %mul3A_42 = vector.broadcast %select_n3A_18 : vector<2000x1xf32> to vector<2000x128xf32>
    %mul3A_43 = arith.mulf %mul3A_42, %get3A_41 : vector<2000x128xf32>
    %add3A_44 = arith.addf %mul3A_36, %mul3A_43 : vector<2000x128xf32>
    %add3A_45 = vector.broadcast %add3A : vector<1x128xf32> to vector<2000x128xf32>
    %add3A_46 = arith.addf %add3A_44, %add3A_45 : vector<2000x128xf32>
    %swap3A = arith.constant 0 : index
    %swap3A_47 = arith.constant 0 : index
    %swap3A_48 = vector.load %arg6[%swap3A, %swap3A_47] : memref<2000x128xf32, #tpu.memory_space<vmem>>, vector<2000x128xf32>
    tpu.vector_store %arg6[%swap3A, %swap3A_47], %add3A_46 {strides = array<i32>} : memref<2000x128xf32, #tpu.memory_space<vmem>>, vector<2000x128xf32>,
    return
  }
  func.func @transform_0(%arg0: i32) -> (i32, i32, i32) {
    %c0_i32 = arith.constant 0 : i32
    %c0_i32_0 = arith.constant 0 : i32
    %c0_i32_1 = arith.constant 0 : i32
    return %c0_i32, %arg0, %c0_i32_0 : i32, i32, i32
  }
  func.func @transform_1(%arg0: i32) -> (i32, i32) {
    %c0_i32 = arith.constant 0 : i32
    %c0_i32_0 = arith.constant 0 : i32
    return %arg0, %c0_i32 : i32, i32
  }
  func.func @transform_2(%arg0: i32) -> (i32, i32) {
    %c0_i32 = arith.constant 0 : i32
    %c0_i32_0 = arith.constant 0 : i32
    return %arg0, %c0_i32 : i32, i32
  }
  func.func @transform_3(%arg0: i32) -> (i32, i32) {
    %c0_i32 = arith.constant 0 : i32
    %c0_i32_0 = arith.constant 0 : i32
    %c0_i32_1 = arith.constant 0 : i32
    return %c0_i32, %c0_i32_0 : i32, i32
  }
  func.func @transform_4(%arg0: i32) -> (i32, i32) {
    %c0_i32 = arith.constant 0 : i32
    %c0_i32_0 = arith.constant 0 : i32
    %c0_i32_1 = arith.constant 0 : i32
    return %c0_i32, %c0_i32_0 : i32, i32
  }
  func.func @transform_5(%arg0: i32) -> (i32, i32) {
    %c0_i32 = arith.constant 0 : i32
    %c0_i32_0 = arith.constant 0 : i32
    return %arg0, %c0_i32 : i32, i32
  }
}

</mosaic_0001>

<sc_bundles>
// kernel: kernel.6.cloned.1.call-start
scs
__scs_entry_jumppad:
0x0: {  	(pc) =	sbr.rel $0x88, $3  }
0x1: {  	(tag) =	ssettag $0x0;
	lr =	simm.s32 $0x1  }
0x2: {  	[smem:$0x3F9B] =	sst lr;
	_ =	strace $0xD0000000  }
0x3: {  	_ = 	snop  }
0x4: {  	_ = 	snop  }
0x5: {  	_ = 	snop  }
0x6: {  	_ = 	snop  }
0x7: {  	_ = 	snop  }
__scs_overlays_trampoline_lowered:
0x8: {  	[smem:$0x3FAA] =	sst s0  }
0x9: {  	[smem:$0x3FAB] =	sst s1  }
0xa: {  	[smem:$0x3FAC] =	sst s2  }
0xb: {  	[smem:$0x3FAD] =	sst s3  }
0xc: {  	[smem:$0x3FAE] =	sst s4  }
0xd: {  	[smem:$0x3FAF] =	sst s5  }
0xe: {  	[smem:$0x3FB0] =	sst s6  }
0xf: {  	[smem:$0x3FB1] =	sst s7  }
0x10: {  	[smem:$0x3FB2] =	sst s8  }
0x11: {  	[smem:$0x3FB3] =	sst s9;
	s0 =	simm.s32 @!p0 $0x0  }
0x12: {  	s1 =	sld [smem:$0x3F99];
	s0 =	simm.s32 @p0 $0x1  }
0x13: {  	[smem:$0x3FB4] =	sst s0;
	s0 =	simm.s32 @!p1 $0x0  }
0x14: {  	s2 =	sld [smem:$0x3F98];
	s0 =	simm.s32 @p1 $0x1  }
0x15: {  	[smem:$0x3FB5] =	sst s0;
	s0 =	simm.s32 @!p2 $0x0  }
0x16: {  	s3 =	sld [smem:$0x3FDB];
	s0 =	simm.s32 @p2 $0x1  }
0x17: {  	s4 =	simm.s32 $0x1BF5;
	[smem:$0x3FB7] =	sst s0  }
0x18: {  	s0 =	sld [smem:$0x3F9A];
	_ =	swait.ge [sflag:s4], $0x0  }
0x19: {  	s7 =	sld [smem:$0x3F9B]  }
0x1a: {  	s8 =	sadd.s32 $0xFFFFE003, lr  }
0x1b: {  	s9 =	sadd.s32 $0xFFFFFEF7, lr;
	s5 =	simm.s32 $0xFFFFFFFF;
	p2 =	slt.u32 s8, $0xFFFFF086  }
0x1c: {  	p1 =	slt.u32 s9, $0xF7A;
	s5 =	simm.s32 @!p2 $0x0  }
0x1d: {  	s5 =	simm.s32 @p1 $0x1;
	p0 =	seq.s32 s7, s2  }
0x1e: {  	s7 =	smul.u32 @!p0 $0xF7A, s2;
	p2 =	seq.s32 @!p0 s5, $0x0  }
0x1f: {  	s9 =	smul.u32 $0xF7A, s1;
	s8 =	simm.s32 @!p0 $0x1BF5;
	p2 =	por !p2, p0  }
0x20: {  	[sflag:s8] =	ssyncset.s32 @!p0 $0xFFFFF086;
	s6 =	sadd.s32 @!p0 s3, s7;
	s7 =	simm.s32 @!p0 $0x108  }
0x21: {  	s3 =	sadd.s32 s3, s9;
	s6 =	sadd.s32 @!p0 $0x88, s6;
	s7 =	simm.s32 @p2 $0x1082  }
0x22: {  	[simem:s7], [sflag:s8] =	dma.local @!p0 [hbm:s6], $0xF7A  }
0x23: {  	s9 =	sor.u32 $0xD0000000, s2;
	s6 =	simm.s32 $0x108;
	_ =	swait.ge @!p0 [sflag:s8], $0x0  }
0x24: {  	s3 =	sadd.s32 $0x88, s3;
	s6 =	simm.s32 @!p1 $0x1082;
	[sflag:s4] =	ssyncset.s32 $0xFFFFF086  }
0x25: {  	[simem:s6], [sflag:s4] =	dma.local [hbm:s3], $0xF7A  }
0x26: {  	[smem:$0x3F9B] =	sst s1;
	(tag) =	ssettag s2;
	_ =	strace s9  }
0x27: {  	s1 =	sld [smem:$0x3FAB]  }
0x28: {  	s2 =	sld [smem:$0x3FAC]  }
0x29: {  	s4 =	sld [smem:$0x3FAE]  }
0x2a: {  	p0 =	seq.s32 s5, $0x0;
	s5 =	sld [smem:$0x3FAF]  }
0x2b: {  	s6 =	sld [smem:$0x3FB0]  }
0x2c: {  	s7 =	sld [smem:$0x3FB1]  }
0x2d: {  	s3 =	simm.s32 $0x108;
	s8 =	sld [smem:$0x3FB2]  }
0x2e: {  	s3 =	simm.s32 @!p0 $0x1082;
	s9 =	sld [smem:$0x3FB3]  }
0x2f: {  	lr =	sadd.s32 s0, s3;
	s0 =	sld [smem:$0x3FAA]  }
0x30: {  	s3 =	sld [smem:$0x3FAD]  }
0x31: {  	[smem:$0x3FB6] =	sst s10  }
0x32: {  	s10 =	sld [smem:$0x3FB4];
	_ =	sdelay $0x3  }
0x33: {  	p0 =	seq.s32 s10, $0x1;
	s10 =	sld [smem:$0x3FB6];
	_ =	sdelay $0x3  }
0x34: {  	[smem:$0x3FB6] =	sst s10  }
0x35: {  	s10 =	sld [smem:$0x3FB5];
	_ =	sdelay $0x3  }
0x36: {  	p1 =	seq.s32 s10, $0x1;
	s10 =	sld [smem:$0x3FB6];
	_ =	sdelay $0x3  }
0x37: {  	[smem:$0x3FB6] =	sst s10  }
0x38: {  	s10 =	sld [smem:$0x3FB7]  }
0x39: {  	_ = 	snop;
	(pc) =	sbr.ind lr, $3  }
0x3a: {  	_ = 	snop  }
0x3b: {  	_ = 	snop  }
0x3c: {  	p2 =	seq.s32 s10, $0x1;
	s10 =	sld [smem:$0x3FB6]  }
0x3d: {  	_ =	shalt  }
0x3e: {  	_ =	shalt  }
0x3f: {  	_ =	shalt  }
0x40: {  	_ =	shalt  }
0x41: {  	_ =	shalt  }
0x42: {  	_ =	shalt  }
0x43: {  	_ =	shalt  }
0x44: {  	_ =	shalt  }
0x45: {  	_ =	shalt  }
0x46: {  	_ =	shalt  }
0x47: {  	_ =	shalt  }
0x48: {  	_ =	shalt  }
0x49: {  	_ =	shalt  }
0x4a: {  	_ =	shalt  }
0x4b: {  	_ =	shalt  }
0x4c: {  	_ =	shalt  }
0x4d: {  	_ =	shalt  }
0x4e: {  	_ =	shalt  }
0x4f: {  	_ =	shalt  }
0x50: {  	_ =	shalt  }
0x51: {  	_ =	shalt  }
0x52: {  	_ =	shalt  }
0x53: {  	_ =	shalt  }
0x54: {  	_ =	shalt  }
0x55: {  	_ =	shalt  }
0x56: {  	_ =	shalt  }
0x57: {  	_ =	shalt  }
0x58: {  	_ =	shalt  }
0x59: {  	_ =	shalt  }
0x5a: {  	_ =	shalt  }
0x5b: {  	_ =	shalt  }
0x5c: {  	_ =	shalt  }
0x5d: {  	_ =	shalt  }
0x5e: {  	_ =	shalt  }
0x5f: {  	_ =	shalt  }
0x60: {  	_ =	shalt  }
0x61: {  	_ =	shalt  }
0x62: {  	_ =	shalt  }
0x63: {  	_ =	shalt  }
0x64: {  	_ =	shalt  }
0x65: {  	_ =	shalt  }
0x66: {  	_ =	shalt  }
0x67: {  	_ =	shalt  }
0x68: {  	_ =	shalt  }
0x69: {  	_ =	shalt  }
0x6a: {  	_ =	shalt  }
0x6b: {  	_ =	shalt  }
0x6c: {  	_ =	shalt  }
0x6d: {  	_ =	shalt  }
0x6e: {  	_ =	shalt  }
0x6f: {  	_ =	shalt  }
0x70: {  	_ =	shalt  }
0x71: {  	_ =	shalt  }
0x72: {  	_ =	shalt  }
0x73: {  	_ =	shalt  }
0x74: {  	_ =	shalt  }
0x75: {  	_ =	shalt  }
0x76: {  	_ =	shalt  }
0x77: {  	_ =	shalt  }
0x78: {  	_ =	shalt  }
0x79: {  	_ =	shalt  }
0x7a: {  	_ =	shalt  }
0x7b: {  	_ =	shalt  }
0x7c: {  	_ =	shalt  }
0x7d: {  	_ =	shalt  }
0x7e: {  	_ =	shalt  }
0x7f: {  	_ =	shalt  }
0x80: {  	_ =	shalt  }
0x81: {  	_ =	shalt  }
0x82: {  	_ =	shalt  }
0x83: {  	_ =	shalt  }
0x84: {  	_ =	shalt  }
0x85: {  	_ =	shalt  }
0x86: {  	_ =	shalt  }
0x87: {  	_ =	shalt  }
.Lfunc_end0:
.L_simem_size_0:
called_computation_lowered:
.L_overlay_start_0:
0x88: {  	s2 =	sld [smem:$0x3FD9]  }
0x89: {  	s3 =	sld [smem:$0x3FFE];
	_ =	sdelay $0x1  }
0x8a: {  	s1 =	srdreg.scid  }
0x8b: {  	s0 =	sand.u32 $0x1, s1  }
0x8c: {  	s16 =	sshll.u32 s0, $0xA;
	s2 =	sadd.s32 s3, s2  }
0x8d: {  	s2 =	sadd.s32 s2, s16  }
0x8e: {  	[smem:$0x3FC2] =	sst s2  }
0x8f: {  	_ = 	snop  }
0x90: {  	(tm) =	ssettm $0x1  }
0x91: {  	s17 =	sld [smem:$0x3FFB];
	_ =	sdelay $0x3  }
0x92: {  	_ =	strace s17  }
0x93: {  	s2 =	sld [smem:$0x3FFC];
	_ =	sdelay $0x3  }
0x94: {  	_ =	strace s2  }
0x95: {  	s2 =	sld [smem:$0x3FFD];
	_ =	sdelay $0x3  }
0x96: {  	_ =	strace s2  }
0x97: {  	_ =	strace $0x8FFFFFFF  }
0x98: {  	s18 =	sld [smem:$0x3FDB];
	_ =	sdelay $0x1  }
0x99: {  	s19 =	simm.s32 $_scs_section_size  }
0x9a: {  	s4 =	simm.s32 $_size__tile_overlayer_lowered;
	s5 =	simm.s32 $_tile_overlayer_lowered  }
0x9b: {  	s22 =	simm.s32 $0x1BFF;
	s21 =	sshll.u32 s5, $0x1;
	s2 =	sadd.s32 s19, s18  }
0x9c: {  	s6 =	simm.s32 $0x0;
	s20 =	sshll.u32 s4, $0x1;
	s4 =	sadd.s32 s21, s2  }
0x9d: {  	[timem:s6], [sflag:s22] =	dma.local [hbm:s4], s20  }
0x9e: {  	_ =	swait.ge [sflag:s22], s20  }
0x9f: {  	s3 =	ssub.s32 $0x0, s20;
	[sflag:s22] =	ssyncset.done $0x0  }
0xa0: {  	[sflag:s22] =	ssyncadd.s32 s3;
	_ =	sdelay $0x1  }
0xa1: {  	s23 =	simm.s32 $0x1B8B  }
0xa2: {  	_ =	swait.ge [sflag:s23], $0x1  }
0xa3: {  	[sflag:s23] =	ssyncset.done $0x0  }
0xa4: {  	s25 =	simm.s32 $0x1B8E;
	s24 =	sld [smem:$0x3FFE];
	[sflag:s23] =	ssyncadd.s32 $0xFFFFFFFF  }
0xa5: {  	s26 =	simm.s32 $execute0_lowered;
	[smem:$0x3FD2] =	sst s25  }
0xa6: {  	s4 =	sshll.u32 s26, $0x1;
	_ =	strace $0x80000046;
	[dreg:$0x1] =	wrdreg $0xFFFFFFFF  }
0xa7: {  	s28 =	simm.s32 $_size_execute0_lowered;
	s2 =	sadd.s32 s2, s4;
	[dreg:$0x0] =	wrdreg $0x0  }
0xa8: {  	s4 =	sshll.u32 s28, $0x1;
	[dreg:$0x2] =	wrdreg s2  }
0xa9: {  	[dreg:$0x3] =	wrdreg s4  }
0xaa: {  	[dreg:$0x4] =	wrdreg $0xC0  }
0xab: {  	_ =	task [dreg:s6], $0x5FFFF  }
0xac: {  	[dreg:$0x1] =	wrdreg $0xFFFFFFFF  }
0xad: {  	[dreg:$0x0] =	wrdreg $0x60  }
0xae: {  	[dreg:$0x2] =	wrdreg s24  }
0xaf: {  	[dreg:$0x3] =	wrdreg $0x7B800  }
0xb0: {  	[dreg:$0x4] =	wrdreg $0x9  }
0xb1: {  	_ =	task.clear_ibuf [dreg:s6], $0x5FFFF;
	_ =	strace $0x90000046  }
0xb2: {  	s29 =	simm.s32 $0x9;
	_ =	strace $0x80000048  }
0xb3: {  	_ =	swait.ge [sflag:s29], $0x1  }
0xb4: {  	[sflag:s29] =	ssyncadd.s32 $0xFFFFFFFF  }
0xb5: {  	_ =	strace $0x90000048  }
0xb6: {  	_ =	sfence  }
0xb7: {  	s30 =	sld [smem:$0x0];
	_ =	sdelay $0x2  }
0xb8: {  	s31 =	sshll.u32 s1, $0xD;
	s1 =	sshrl.u32 s1, $0x2  }
0xb9: {  	s3 =	sand.u32 $0x4000, s31;
	s1 =	sadd.s32 s1, s30  }
0xba: {  	s0 =	sor.u32 s3, s0;
	s1 =	sshll.u32 s1, $0x11  }
0xbb: {  	s0 =	sor.u32 s1, s0  }
0xbc: {  	s0 =	sadd.s32 $0x8F2B, s0  }
0xbd: {  	[sflag:s0] =	ssyncadd.remote.s32 $0x1  }
0xbe: {  	_ =	sfence.sel $0xFFFF  }
0xbf: {  	[dreg:$0x0] =	wrdreg $0xFFFFFFFF;
	(pc) =	sbr.abs _section_cstart, $3  }
0xc0: {  	[dreg:$0x1] =	wrdreg $0xFFFFFFFF  }
0xc1: {  	_ =	task.clear_ibuf [dreg:s6], $0x2FFFF;
	_ =	strace $0x9FFFFFFF  }
0xc2: {  	(tm) =	ssettm $0x7FFFFFFF  }
0xc3: {  	_ =	shalt  }
tec
execute0_lowered:
.L_overlay_start_1:
0x0: {  	(tag) =	ssettag $0x1  }
0x1: {  	s0 =	srdreg.scid;
	s4 =	rddreg [dreg:$0x0]  }
0x2: {  	s6 =	rddreg [dreg:$0x1];
	s3 =	sand.u32 $0x1, s0  }
0x3: {  	s2 =	simm.s32 $0x0;
	s0 =	stileid.u32;
	s5 =	smul.u32 $0x4E200, s3  }
0x4: {  	s24 =	simm.s32 $0x2800;
	s25 =	simm.s32 $0x1;
	s7 =	smul.u32 $0x4E20, s0  }
0x5: {  	s28 =	simm.s32 $0x7680;
	[smem:$0x7FF] =	sst s2;
	s8 =	smul.u32 $0x280, s0  }
0x6: {  	s29 =	simm.s32 $0x0;
	s26 =	smul.u32 $0x2800, s3;
	_ =	strace $0x80000047  }
0x7: {  	s9 =	ssub.s32 $0x2, s3;
	s10 =	smul.u32 $0xA000, s0;
	s3 =	sadd.s32 $0x15200, s4  }
0x8: {  	s30 =	sshrl.u32 s9, $0x1;
	s5 =	sadd.s32 s7, s5;
	s7 =	sadd.s32 s8, s26  }
0x9: {  	s23 =	ssub.s32 s9, s30;
	s31 =	sshrl.u32 s10, $0x2;
	s26 =	simm.s32 $0x7900  }
0xa: {  	s5 =	sshrl.u32 s5, $0x3;
	s7 =	sshrl.u32 s7, $0x3;
	s23 =	smax.u32 s23, $0x1  }
0xb: {  	s5 =	sadd.s32 s5, s4;
	s22 =	sadd.s32 s7, s4;
	s4 =	sadd.s32 s8, s6  }
0xc: {  	s6 =	sadd.s32 s31, s6;
	s5 =	sadd.s32 $0x1800, s5;
	s7 =	sadd.s32 $0x2800, s4  }
0xd: {  	s8 =	sadd.s32 $0x5000, s4;
	s9 =	sadd.s32 $0x7800, s4;
	s10 =	sadd.s32 $0xA000, s4  }
0xe: {  	s11 =	sadd.s32 $0xC800, s4;
	s12 =	sadd.s32 $0xF000, s4;
	s13 =	sadd.s32 $0x11800, s4  }
0xf: {  	s14 =	sadd.s32 $0x14000, s4;
	s15 =	sadd.s32 $0x16800, s4;
	s16 =	sadd.s32 $0x19000, s4  }
0x10: {  	s17 =	sadd.s32 $0x1B800, s4;
	s18 =	sadd.s32 $0x1E000, s4;
	s19 =	sadd.s32 $0x20800, s4  }
0x11: {  	v0 =	vimm.f32 $1.000000000e+00;
	s20 =	sadd.s32 $0x23000, s4;
	s21 =	sadd.s32 $0x25800, s4;
	s22 =	sadd.s32 $0x15800, s22  }
.LBB2_1:
0x12: {  	[tilespmem:s24], [sflag:$0x1] =	stream.linear.gather [hbm4b:s5+s2], $0x4E20, $0x38;
	[tilespmem:$0xA380] =	vst v63  }
0x13: {  	_ =	swait.ge [sflag:s25], $0x4E20  }
0x14: {  	[sflag:s25] =	ssyncset.done $0x0  }
0x15: {  	[sflag:s25] =	ssyncadd.s32 $0xFFFFB1E0  }
0x16: {  	[tilespmem:s2], [sflag:$0x1] =	stream.linear.gather [hbm4b:s3+s2], $0x2800, $0x38;
	[tilespmem:$0xA380] =	vst v63  }
0x17: {  	_ =	swait.ge [sflag:s25], $0x2800  }
0x18: {  	[sflag:s25] =	ssyncset.done $0x0  }
0x19: {  	s31 =	simm.s32 $0x0;
	s30 =	simm.s32 $0x40;
	[sflag:s25] =	ssyncadd.s32 $0xFFFFD800  }
.LBB2_2:
0x1a: {  	p0 =	sne.s32 s30, $0x13840;
	v1 =	vld [tilespmem:s31+$0x2800];
	_ =	sdelay $0x3  }
.Ltmp0:
0x1b: {  	(pc) =	sbr.rel @p0 .LBB2_2-.Ltmp0, $2  }
0x1c: {  	_ =	sdelay $0x2  }
0x1d: {  	s31 =	sshra.s32 s30, $0x2;
	s30 =	sadd.s32 $0x40, s30;
	[tilespmem:v1+s2+$0x0] =	vst.idx.add.f32.msk $0xffff, v0  }
0x1e: {  	v1 =	vld [tilespmem:s31+$0x2800];
	_ =	sdelay $0x7  }
0x1f: {  	s30 =	simm.s32 $0x0;
	[tilespmem:v1+s2+$0x0] =	vst.idx.add.f32.msk $0xffff, v0  }
0x20: {  	[spmem:s6] =	stream.linear.scatter [tilespmem:s30], [sflag:$0x1], $0x2800, $0x38;
	[tilespmem:$0xA380] =	vst v63  }
0x21: {  	_ =	swait.ge [sflag:s25], $0x2800  }
0x22: {  	[sflag:s25] =	ssyncset.done $0x0  }
0x23: {  	[sflag:s25] =	ssyncadd.s32 $0xFFFFD800  }
0x24: {  	[bflag:$0x0] =	sbarrier.arrive $0xFFFF  }
0x25: {  	[tilespmem:s26], [sflag:$0x1] =	stream.linear.gather [hbm4b:s3+s30], $0x280, $0x38;
	[tilespmem:$0xA380] =	vst v63  }
0x26: {  	_ =	swait.ge [sflag:s25], $0x280  }
0x27: {  	[sflag:s25] =	ssyncset.done $0x0  }
0x28: {  	[sflag:s25] =	ssyncadd.s32 $0xFFFFFD80  }
0x29: {  	[tilespmem:s28], [sflag:$0x1] =	stream.linear.gather [spmem:s4], $0x280, $0x38;
	[tilespmem:$0xA380] =	vst v63  }
0x2a: {  	_ =	swait.ge [sflag:s25], $0x280  }
0x2b: {  	[sflag:s25] =	ssyncset.done $0x0  }
0x2c: {  	s30 =	simm.s32 $0x0;
	[sflag:s25] =	ssyncadd.s32 $0xFFFFFD80  }
0x2d: {  	s31 =	simm.s32 $0x40;
	v1 =	vld [tilespmem:s30+$0x7680]  }
.LBB2_4:
0x2e: {  	p0 =	sne.s32 s31, $0x9C0;
	v2 =	vld [tilespmem:s30+$0x7900];
	_ =	sdelay $0x2  }
.Ltmp1:
0x2f: {  	(pc) =	sbr.rel @p0 .LBB2_4-.Ltmp1, $4  }
0x30: {  	_ = 	snop  }
0x31: {  	v2 =	vadd.f32 v1, v2  }
0x32: {  	s1 =	sshra.s32 s31, $0x2  }
0x33: {  	s31 =	sadd.s32 $0x40, s31;
	v1 =	vld [tilespmem:s1+$0x7680];
	[tilespmem:s30+$0x7900] =	vst v2;
	s30 =	smov.u32 s1  }
0x34: {  	v2 =	vld [tilespmem:s30+$0x7900];
	_ =	sdelay $0x4  }
0x35: {  	v1 =	vadd.f32 v1, v2;
	_ =	sdelay $0x1  }
0x36: {  	[tilespmem:s30+$0x7900] =	vst v1  }
0x37: {  	[tilespmem:s28], [sflag:$0x1] =	stream.linear.gather [spmem:s7], $0x280, $0x38;
	[tilespmem:$0xA380] =	vst v63  }
0x38: {  	_ =	swait.ge [sflag:s25], $0x280  }
0x39: {  	[sflag:s25] =	ssyncset.done $0x0  }
0x3a: {  	s30 =	simm.s32 $0x0;
	[sflag:s25] =	ssyncadd.s32 $0xFFFFFD80  }
0x3b: {  	s31 =	simm.s32 $0x40;
	v1 =	vld [tilespmem:s30+$0x7680]  }
.LBB2_6:
0x3c: {  	p0 =	sne.s32 s31, $0x9C0;
	v2 =	vld [tilespmem:s30+$0x7900];
	_ =	sdelay $0x2  }
.Ltmp2:
0x3d: {  	(pc) =	sbr.rel @p0 .LBB2_6-.Ltmp2, $4  }
0x3e: {  	_ = 	snop  }
0x3f: {  	v2 =	vadd.f32 v1, v2  }
0x40: {  	s1 =	sshra.s32 s31, $0x2  }
0x41: {  	s31 =	sadd.s32 $0x40, s31;
	v1 =	vld [tilespmem:s1+$0x7680];
	[tilespmem:s30+$0x7900] =	vst v2;
	s30 =	smov.u32 s1  }
0x42: {  	v2 =	vld [tilespmem:s30+$0x7900];
	_ =	sdelay $0x4  }
0x43: {  	v1 =	vadd.f32 v1, v2;
	_ =	sdelay $0x1  }
0x44: {  	[tilespmem:s30+$0x7900] =	vst v1  }
0x45: {  	[tilespmem:s28], [sflag:$0x1] =	stream.linear.gather [spmem:s8], $0x280, $0x38;
	[tilespmem:$0xA380] =	vst v63  }
0x46: {  	_ =	swait.ge [sflag:s25], $0x280  }
0x47: {  	[sflag:s25] =	ssyncset.done $0x0  }
0x48: {  	s30 =	simm.s32 $0x0;
	[sflag:s25] =	ssyncadd.s32 $0xFFFFFD80  }
0x49: {  	s31 =	simm.s32 $0x40;
	v1 =	vld [tilespmem:s30+$0x7680]  }
.LBB2_8:
0x4a: {  	p0 =	sne.s32 s31, $0x9C0;
	v2 =	vld [tilespmem:s30+$0x7900];
	_ =	sdelay $0x2  }
.Ltmp3:
0x4b: {  	(pc) =	sbr.rel @p0 .LBB2_8-.Ltmp3, $4  }
0x4c: {  	_ = 	snop  }
0x4d: {  	v2 =	vadd.f32 v1, v2  }
0x4e: {  	s1 =	sshra.s32 s31, $0x2  }
0x4f: {  	s31 =	sadd.s32 $0x40, s31;
	v1 =	vld [tilespmem:s1+$0x7680];
	[tilespmem:s30+$0x7900] =	vst v2;
	s30 =	smov.u32 s1  }
0x50: {  	v2 =	vld [tilespmem:s30+$0x7900];
	_ =	sdelay $0x4  }
0x51: {  	v1 =	vadd.f32 v1, v2;
	_ =	sdelay $0x1  }
0x52: {  	[tilespmem:s30+$0x7900] =	vst v1  }
0x53: {  	[tilespmem:s28], [sflag:$0x1] =	stream.linear.gather [spmem:s9], $0x280, $0x38;
	[tilespmem:$0xA380] =	vst v63  }
0x54: {  	_ =	swait.ge [sflag:s25], $0x280  }
0x55: {  	[sflag:s25] =	ssyncset.done $0x0  }
0x56: {  	s30 =	simm.s32 $0x0;
	[sflag:s25] =	ssyncadd.s32 $0xFFFFFD80  }
0x57: {  	s31 =	simm.s32 $0x40;
	v1 =	vld [tilespmem:s30+$0x7680]  }
.LBB2_10:
0x58: {  	p0 =	sne.s32 s31, $0x9C0;
	v2 =	vld [tilespmem:s30+$0x7900];
	_ =	sdelay $0x2  }
.Ltmp4:
0x59: {  	(pc) =	sbr.rel @p0 .LBB2_10-.Ltmp4, $4  }
0x5a: {  	_ = 	snop  }
0x5b: {  	v2 =	vadd.f32 v1, v2  }
0x5c: {  	s1 =	sshra.s32 s31, $0x2  }
0x5d: {  	s31 =	sadd.s32 $0x40, s31;
	v1 =	vld [tilespmem:s1+$0x7680];
	[tilespmem:s30+$0x7900] =	vst v2;
	s30 =	smov.u32 s1  }
0x5e: {  	v2 =	vld [tilespmem:s30+$0x7900];
	_ =	sdelay $0x4  }
0x5f: {  	v1 =	vadd.f32 v1, v2;
	_ =	sdelay $0x1  }
0x60: {  	[tilespmem:s30+$0x7900] =	vst v1  }
0x61: {  	[tilespmem:s28], [sflag:$0x1] =	stream.linear.gather [spmem:s10], $0x280, $0x38;
	[tilespmem:$0xA380] =	vst v63  }
0x62: {  	_ =	swait.ge [sflag:s25], $0x280  }
0x63: {  	[sflag:s25] =	ssyncset.done $0x0  }
0x64: {  	s30 =	simm.s32 $0x0;
	[sflag:s25] =	ssyncadd.s32 $0xFFFFFD80  }
0x65: {  	s31 =	simm.s32 $0x40;
	v1 =	vld [tilespmem:s30+$0x7680]  }
.LBB2_12:
0x66: {  	p0 =	sne.s32 s31, $0x9C0;
	v2 =	vld [tilespmem:s30+$0x7900];
	_ =	sdelay $0x2  }
.Ltmp5:
0x67: {  	(pc) =	sbr.rel @p0 .LBB2_12-.Ltmp5, $4  }
0x68: {  	_ = 	snop  }
0x69: {  	v2 =	vadd.f32 v1, v2  }
0x6a: {  	s1 =	sshra.s32 s31, $0x2  }
0x6b: {  	s31 =	sadd.s32 $0x40, s31;
	v1 =	vld [tilespmem:s1+$0x7680];
	[tilespmem:s30+$0x7900] =	vst v2;
	s30 =	smov.u32 s1  }
0x6c: {  	v2 =	vld [tilespmem:s30+$0x7900];
	_ =	sdelay $0x4  }
0x6d: {  	v1 =	vadd.f32 v1, v2;
	_ =	sdelay $0x1  }
0x6e: {  	[tilespmem:s30+$0x7900] =	vst v1  }
0x6f: {  	[tilespmem:s28], [sflag:$0x1] =	stream.linear.gather [spmem:s11], $0x280, $0x38;
	[tilespmem:$0xA380] =	vst v63  }
0x70: {  	_ =	swait.ge [sflag:s25], $0x280  }
0x71: {  	[sflag:s25] =	ssyncset.done $0x0  }
0x72: {  	s30 =	simm.s32 $0x0;
	[sflag:s25] =	ssyncadd.s32 $0xFFFFFD80  }
0x73: {  	s31 =	simm.s32 $0x40;
	v1 =	vld [tilespmem:s30+$0x7680]  }
.LBB2_14:
0x74: {  	p0 =	sne.s32 s31, $0x9C0;
	v2 =	vld [tilespmem:s30+$0x7900];
	_ =	sdelay $0x2  }
.Ltmp6:
0x75: {  	(pc) =	sbr.rel @p0 .LBB2_14-.Ltmp6, $4  }
0x76: {  	_ = 	snop  }
0x77: {  	v2 =	vadd.f32 v1, v2  }
0x78: {  	s1 =	sshra.s32 s31, $0x2  }
0x79: {  	s31 =	sadd.s32 $0x40, s31;
	v1 =	vld [tilespmem:s1+$0x7680];
	[tilespmem:s30+$0x7900] =	vst v2;
	s30 =	smov.u32 s1  }
0x7a: {  	v2 =	vld [tilespmem:s30+$0x7900];
	_ =	sdelay $0x4  }
0x7b: {  	v1 =	vadd.f32 v1, v2;
	_ =	sdelay $0x1  }
0x7c: {  	[tilespmem:s30+$0x7900] =	vst v1  }
0x7d: {  	[tilespmem:s28], [sflag:$0x1] =	stream.linear.gather [spmem:s12], $0x280, $0x38;
	[tilespmem:$0xA380] =	vst v63  }
0x7e: {  	_ =	swait.ge [sflag:s25], $0x280  }
0x7f: {  	[sflag:s25] =	ssyncset.done $0x0  }
0x80: {  	s30 =	simm.s32 $0x0;
	[sflag:s25] =	ssyncadd.s32 $0xFFFFFD80  }
0x81: {  	s31 =	simm.s32 $0x40;
	v1 =	vld [tilespmem:s30+$0x7680]  }
.LBB2_16:
0x82: {  	p0 =	sne.s32 s31, $0x9C0;
	v2 =	vld [tilespmem:s30+$0x7900];
	_ =	sdelay $0x2  }
.Ltmp7:
0x83: {  	(pc) =	sbr.rel @p0 .LBB2_16-.Ltmp7, $4  }
0x84: {  	_ = 	snop  }
0x85: {  	v2 =	vadd.f32 v1, v2  }
0x86: {  	s1 =	sshra.s32 s31, $0x2  }
0x87: {  	s31 =	sadd.s32 $0x40, s31;
	v1 =	vld [tilespmem:s1+$0x7680];
	[tilespmem:s30+$0x7900] =	vst v2;
	s30 =	smov.u32 s1  }
0x88: {  	v2 =	vld [tilespmem:s30+$0x7900];
	_ =	sdelay $0x4  }
0x89: {  	v1 =	vadd.f32 v1, v2;
	_ =	sdelay $0x1  }
0x8a: {  	[tilespmem:s30+$0x7900] =	vst v1  }
0x8b: {  	[tilespmem:s28], [sflag:$0x1] =	stream.linear.gather [spmem:s13], $0x280, $0x38;
	[tilespmem:$0xA380] =	vst v63  }
0x8c: {  	_ =	swait.ge [sflag:s25], $0x280  }
0x8d: {  	[sflag:s25] =	ssyncset.done $0x0  }
0x8e: {  	s30 =	simm.s32 $0x0;
	[sflag:s25] =	ssyncadd.s32 $0xFFFFFD80  }
0x8f: {  	s31 =	simm.s32 $0x40;
	v1 =	vld [tilespmem:s30+$0x7680]  }
.LBB2_18:
0x90: {  	p0 =	sne.s32 s31, $0x9C0;
	v2 =	vld [tilespmem:s30+$0x7900];
	_ =	sdelay $0x2  }
.Ltmp8:
0x91: {  	(pc) =	sbr.rel @p0 .LBB2_18-.Ltmp8, $4  }
0x92: {  	_ = 	snop  }
0x93: {  	v2 =	vadd.f32 v1, v2  }
0x94: {  	s1 =	sshra.s32 s31, $0x2  }
0x95: {  	s31 =	sadd.s32 $0x40, s31;
	v1 =	vld [tilespmem:s1+$0x7680];
	[tilespmem:s30+$0x7900] =	vst v2;
	s30 =	smov.u32 s1  }
0x96: {  	v2 =	vld [tilespmem:s30+$0x7900];
	_ =	sdelay $0x4  }
0x97: {  	v1 =	vadd.f32 v1, v2;
	_ =	sdelay $0x1  }
0x98: {  	[tilespmem:s30+$0x7900] =	vst v1  }
0x99: {  	[tilespmem:s28], [sflag:$0x1] =	stream.linear.gather [spmem:s14], $0x280, $0x38;
	[tilespmem:$0xA380] =	vst v63  }
0x9a: {  	_ =	swait.ge [sflag:s25], $0x280  }
0x9b: {  	[sflag:s25] =	ssyncset.done $0x0  }
0x9c: {  	s30 =	simm.s32 $0x0;
	[sflag:s25] =	ssyncadd.s32 $0xFFFFFD80  }
0x9d: {  	s31 =	simm.s32 $0x40;
	v1 =	vld [tilespmem:s30+$0x7680]  }
.LBB2_20:
0x9e: {  	p0 =	sne.s32 s31, $0x9C0;
	v2 =	vld [tilespmem:s30+$0x7900];
	_ =	sdelay $0x2  }
.Ltmp9:
0x9f: {  	(pc) =	sbr.rel @p0 .LBB2_20-.Ltmp9, $4  }
0xa0: {  	_ = 	snop  }
0xa1: {  	v2 =	vadd.f32 v1, v2  }
0xa2: {  	s1 =	sshra.s32 s31, $0x2  }
0xa3: {  	s31 =	sadd.s32 $0x40, s31;
	v1 =	vld [tilespmem:s1+$0x7680];
	[tilespmem:s30+$0x7900] =	vst v2;
	s30 =	smov.u32 s1  }
0xa4: {  	v2 =	vld [tilespmem:s30+$0x7900];
	_ =	sdelay $0x4  }
0xa5: {  	v1 =	vadd.f32 v1, v2;
	_ =	sdelay $0x1  }
0xa6: {  	[tilespmem:s30+$0x7900] =	vst v1  }
0xa7: {  	[tilespmem:s28], [sflag:$0x1] =	stream.linear.gather [spmem:s15], $0x280, $0x38;
	[tilespmem:$0xA380] =	vst v63  }
0xa8: {  	_ =	swait.ge [sflag:s25], $0x280  }
0xa9: {  	[sflag:s25] =	ssyncset.done $0x0  }
0xaa: {  	s30 =	simm.s32 $0x0;
	[sflag:s25] =	ssyncadd.s32 $0xFFFFFD80  }
0xab: {  	s31 =	simm.s32 $0x40;
	v1 =	vld [tilespmem:s30+$0x7680]  }
.LBB2_22:
0xac: {  	p0 =	sne.s32 s31, $0x9C0;
	v2 =	vld [tilespmem:s30+$0x7900];
	_ =	sdelay $0x2  }
.Ltmp10:
0xad: {  	(pc) =	sbr.rel @p0 .LBB2_22-.Ltmp10, $4  }
0xae: {  	_ = 	snop  }
0xaf: {  	v2 =	vadd.f32 v1, v2  }
0xb0: {  	s1 =	sshra.s32 s31, $0x2  }
0xb1: {  	s31 =	sadd.s32 $0x40, s31;
	v1 =	vld [tilespmem:s1+$0x7680];
	[tilespmem:s30+$0x7900] =	vst v2;
	s30 =	smov.u32 s1  }
0xb2: {  	v2 =	vld [tilespmem:s30+$0x7900];
	_ =	sdelay $0x4  }
0xb3: {  	v1 =	vadd.f32 v1, v2;
	_ =	sdelay $0x1  }
0xb4: {  	[tilespmem:s30+$0x7900] =	vst v1  }
0xb5: {  	[tilespmem:s28], [sflag:$0x1] =	stream.linear.gather [spmem:s16], $0x280, $0x38;
	[tilespmem:$0xA380] =	vst v63  }
0xb6: {  	_ =	swait.ge [sflag:s25], $0x280  }
0xb7: {  	[sflag:s25] =	ssyncset.done $0x0  }
0xb8: {  	s30 =	simm.s32 $0x0;
	[sflag:s25] =	ssyncadd.s32 $0xFFFFFD80  }
0xb9: {  	s31 =	simm.s32 $0x40;
	v1 =	vld [tilespmem:s30+$0x7680]  }
.LBB2_24:
0xba: {  	p0 =	sne.s32 s31, $0x9C0;
	v2 =	vld [tilespmem:s30+$0x7900];
	_ =	sdelay $0x2  }
.Ltmp11:
0xbb: {  	(pc) =	sbr.rel @p0 .LBB2_24-.Ltmp11, $4  }
0xbc: {  	_ = 	snop  }
0xbd: {  	v2 =	vadd.f32 v1, v2  }
0xbe: {  	s1 =	sshra.s32 s31, $0x2  }
0xbf: {  	s31 =	sadd.s32 $0x40, s31;
	v1 =	vld [tilespmem:s1+$0x7680];
	[tilespmem:s30+$0x7900] =	vst v2;
	s30 =	smov.u32 s1  }
0xc0: {  	v2 =	vld [tilespmem:s30+$0x7900];
	_ =	sdelay $0x4  }
0xc1: {  	v1 =	vadd.f32 v1, v2;
	_ =	sdelay $0x1  }
0xc2: {  	[tilespmem:s30+$0x7900] =	vst v1  }
0xc3: {  	[tilespmem:s28], [sflag:$0x1] =	stream.linear.gather [spmem:s17], $0x280, $0x38;
	[tilespmem:$0xA380] =	vst v63  }
0xc4: {  	_ =	swait.ge [sflag:s25], $0x280  }
0xc5: {  	[sflag:s25] =	ssyncset.done $0x0  }
0xc6: {  	s30 =	simm.s32 $0x0;
	[sflag:s25] =	ssyncadd.s32 $0xFFFFFD80  }
0xc7: {  	s31 =	simm.s32 $0x40;
	v1 =	vld [tilespmem:s30+$0x7680]  }
.LBB2_26:
0xc8: {  	p0 =	sne.s32 s31, $0x9C0;
	v2 =	vld [tilespmem:s30+$0x7900];
	_ =	sdelay $0x2  }
.Ltmp12:
0xc9: {  	(pc) =	sbr.rel @p0 .LBB2_26-.Ltmp12, $4  }
0xca: {  	_ = 	snop  }
0xcb: {  	v2 =	vadd.f32 v1, v2  }
0xcc: {  	s1 =	sshra.s32 s31, $0x2  }
0xcd: {  	s31 =	sadd.s32 $0x40, s31;
	v1 =	vld [tilespmem:s1+$0x7680];
	[tilespmem:s30+$0x7900] =	vst v2;
	s30 =	smov.u32 s1  }
0xce: {  	v2 =	vld [tilespmem:s30+$0x7900];
	_ =	sdelay $0x4  }
0xcf: {  	v1 =	vadd.f32 v1, v2;
	_ =	sdelay $0x1  }
0xd0: {  	[tilespmem:s30+$0x7900] =	vst v1  }
0xd1: {  	[tilespmem:s28], [sflag:$0x1] =	stream.linear.gather [spmem:s18], $0x280, $0x38;
	[tilespmem:$0xA380] =	vst v63  }
0xd2: {  	_ =	swait.ge [sflag:s25], $0x280  }
0xd3: {  	[sflag:s25] =	ssyncset.done $0x0  }
0xd4: {  	s30 =	simm.s32 $0x0;
	[sflag:s25] =	ssyncadd.s32 $0xFFFFFD80  }
0xd5: {  	s31 =	simm.s32 $0x40;
	v1 =	vld [tilespmem:s30+$0x7680]  }
.LBB2_28:
0xd6: {  	p0 =	sne.s32 s31, $0x9C0;
	v2 =	vld [tilespmem:s30+$0x7900];
	_ =	sdelay $0x2  }
.Ltmp13:
0xd7: {  	(pc) =	sbr.rel @p0 .LBB2_28-.Ltmp13, $4  }
0xd8: {  	_ = 	snop  }
0xd9: {  	v2 =	vadd.f32 v1, v2  }
0xda: {  	s1 =	sshra.s32 s31, $0x2  }
0xdb: {  	s31 =	sadd.s32 $0x40, s31;
	v1 =	vld [tilespmem:s1+$0x7680];
	[tilespmem:s30+$0x7900] =	vst v2;
	s30 =	smov.u32 s1  }
0xdc: {  	v2 =	vld [tilespmem:s30+$0x7900];
	_ =	sdelay $0x4  }
0xdd: {  	v1 =	vadd.f32 v1, v2;
	_ =	sdelay $0x1  }
0xde: {  	[tilespmem:s30+$0x7900] =	vst v1  }
0xdf: {  	[tilespmem:s28], [sflag:$0x1] =	stream.linear.gather [spmem:s19], $0x280, $0x38;
	[tilespmem:$0xA380] =	vst v63  }
0xe0: {  	_ =	swait.ge [sflag:s25], $0x280  }
0xe1: {  	[sflag:s25] =	ssyncset.done $0x0  }
0xe2: {  	s30 =	simm.s32 $0x0;
	[sflag:s25] =	ssyncadd.s32 $0xFFFFFD80  }
0xe3: {  	s31 =	simm.s32 $0x40;
	v1 =	vld [tilespmem:s30+$0x7680]  }
.LBB2_30:
0xe4: {  	p0 =	sne.s32 s31, $0x9C0;
	v2 =	vld [tilespmem:s30+$0x7900];
	_ =	sdelay $0x2  }
.Ltmp14:
0xe5: {  	(pc) =	sbr.rel @p0 .LBB2_30-.Ltmp14, $4  }
0xe6: {  	_ = 	snop  }
0xe7: {  	v2 =	vadd.f32 v1, v2  }
0xe8: {  	s1 =	sshra.s32 s31, $0x2  }
0xe9: {  	s31 =	sadd.s32 $0x40, s31;
	v1 =	vld [tilespmem:s1+$0x7680];
	[tilespmem:s30+$0x7900] =	vst v2;
	s30 =	smov.u32 s1  }
0xea: {  	v2 =	vld [tilespmem:s30+$0x7900];
	_ =	sdelay $0x4  }
0xeb: {  	v1 =	vadd.f32 v1, v2;
	_ =	sdelay $0x1  }
0xec: {  	[tilespmem:s30+$0x7900] =	vst v1  }
0xed: {  	[tilespmem:s28], [sflag:$0x1] =	stream.linear.gather [spmem:s20], $0x280, $0x38;
	[tilespmem:$0xA380] =	vst v63  }
0xee: {  	_ =	swait.ge [sflag:s25], $0x280  }
0xef: {  	[sflag:s25] =	ssyncset.done $0x0  }
0xf0: {  	s30 =	simm.s32 $0x0;
	[sflag:s25] =	ssyncadd.s32 $0xFFFFFD80  }
0xf1: {  	s31 =	simm.s32 $0x40;
	v1 =	vld [tilespmem:s30+$0x7680]  }
.LBB2_32:
0xf2: {  	p0 =	sne.s32 s31, $0x9C0;
	v2 =	vld [tilespmem:s30+$0x7900];
	_ =	sdelay $0x2  }
.Ltmp15:
0xf3: {  	(pc) =	sbr.rel @p0 .LBB2_32-.Ltmp15, $4  }
0xf4: {  	_ = 	snop  }
0xf5: {  	v2 =	vadd.f32 v1, v2  }
0xf6: {  	s1 =	sshra.s32 s31, $0x2  }
0xf7: {  	s31 =	sadd.s32 $0x40, s31;
	v1 =	vld [tilespmem:s1+$0x7680];
	[tilespmem:s30+$0x7900] =	vst v2;
	s30 =	smov.u32 s1  }
0xf8: {  	v2 =	vld [tilespmem:s30+$0x7900];
	_ =	sdelay $0x4  }
0xf9: {  	v1 =	vadd.f32 v1, v2;
	_ =	sdelay $0x1  }
0xfa: {  	[tilespmem:s30+$0x7900] =	vst v1  }
0xfb: {  	[tilespmem:s28], [sflag:$0x1] =	stream.linear.gather [spmem:s21], $0x280, $0x38;
	[tilespmem:$0xA380] =	vst v63  }
0xfc: {  	_ =	swait.ge [sflag:s25], $0x280  }
0xfd: {  	[sflag:s25] =	ssyncset.done $0x0  }
0xfe: {  	s30 =	simm.s32 $0x0;
	[sflag:s25] =	ssyncadd.s32 $0xFFFFFD80  }
0xff: {  	s31 =	simm.s32 $0x40;
	v1 =	vld [tilespmem:s30+$0x7680]  }
.LBB2_34:
0x100: {  	p0 =	sne.s32 s31, $0x9C0;
	v2 =	vld [tilespmem:s30+$0x7900];
	_ =	sdelay $0x2  }
.Ltmp16:
0x101: {  	(pc) =	sbr.rel @p0 .LBB2_34-.Ltmp16, $4  }
0x102: {  	_ = 	snop  }
0x103: {  	v2 =	vadd.f32 v1, v2  }
0x104: {  	s1 =	sshra.s32 s31, $0x2  }
0x105: {  	s31 =	sadd.s32 $0x40, s31;
	v1 =	vld [tilespmem:s1+$0x7680];
	[tilespmem:s30+$0x7900] =	vst v2;
	s30 =	smov.u32 s1  }
0x106: {  	v2 =	vld [tilespmem:s30+$0x7900];
	_ =	sdelay $0x4  }
0x107: {  	s29 =	sadd.s32 $0x1, s29;
	v1 =	vadd.f32 v1, v2  }
0x108: {  	p0 =	sne.s32 s29, s23  }
.Ltmp17:
0x109: {  	[tilespmem:s30+$0x7900] =	vst v1;
	(pc) =	sbr.rel @p0 .LBB2_1-.Ltmp17, $4  }
0x10a: {  	[hbm4b:s22+s2] =	stream.linear.scatter [tilespmem:s26], [sflag:$0x1], $0x280, $0x38;
	[tilespmem:$0xA380] =	vst v63  }
0x10b: {  	_ =	swait.ge [sflag:s25], $0x280  }
0x10c: {  	[sflag:s25] =	ssyncset.done $0x0  }
0x10d: {  	[sflag:s25] =	ssyncadd.s32 $0xFFFFFD80  }
0x10e: {  	_ =	sfence.sel $0x180000  }
0x10f: {  	[bflag:$0x0] =	sbarrier.arrive $0xFFFF  }
0x110: {  	_ =	strace $0x90000047  }
0x111: {  	[bflag:$0x2] =	sbarrier.arrive $0xFFFF  }
0x112: {  	p0 =	sne.s32 s0, $0x0;
	s0 =	rddreg [dreg:$0x2]  }
0x113: {  	s0 =	sadd.s32 @!p0 $0x100000, s0  }
0x114: {  	[sflag:s0] =	ssyncadd.tile.s32 @!p0 $0x1;
	_ =	shalt  }
.Lfunc_end2:
_tile_overlayer_lowered:
.L_overlay_start_2:
0x115: {  	(tag) =	ssettag $0x2  }
0x116: {  	s0 =	rddreg [dreg:$0x0];
	s2 =	stileid.u32  }
0x117: {  	s1 =	rddreg [dreg:$0x1];
	p0 =	sne.s32 s2, $0x0  }
0x118: {  	s3 =	rddreg [dreg:$0x2];
	[bflag:$0x3] =	sbarrier.arrive $0xFFFF;
	s2 =	simm.s32 @!p0 $0x1C01  }
0x119: {  	[timem:s3], [sflag:s2] =	dma.local @!p0 [hbm:s0], s1  }
0x11a: {  	s0 =	simm.s32 @!p0 $0x1  }
0x11b: {  	_ =	swait.ge @!p0 [sflag:s0], s1  }
0x11c: {  	s1 =	ssub.s32 @!p0 $0x0, s1;
	[sflag:s0] =	ssyncset.done @!p0 $0x0  }
0x11d: {  	[sflag:s0] =	ssyncadd.s32 @!p0 s1  }
0x11e: {  	[bflag:$0x3] =	sbarrier.arrive $0xFFFF  }
0x11f: {  	_ =	shalt  }

// kernel: kernel.9.cloned.1.call-start
scs
__scs_entry_jumppad:
0x0: {  	(pc) =	sbr.rel $0x88, $3  }
0x1: {  	(tag) =	ssettag $0x0;
	lr =	simm.s32 $0x1  }
0x2: {  	[smem:$0x3F9B] =	sst lr;
	_ =	strace $0xD0000000  }
0x3: {  	_ = 	snop  }
0x4: {  	_ = 	snop  }
0x5: {  	_ = 	snop  }
0x6: {  	_ = 	snop  }
0x7: {  	_ = 	snop  }
__scs_overlays_trampoline_lowered:
0x8: {  	[smem:$0x3FAA] =	sst s0  }
0x9: {  	[smem:$0x3FAB] =	sst s1  }
0xa: {  	[smem:$0x3FAC] =	sst s2  }
0xb: {  	[smem:$0x3FAD] =	sst s3  }
0xc: {  	[smem:$0x3FAE] =	sst s4  }
0xd: {  	[smem:$0x3FAF] =	sst s5  }
0xe: {  	[smem:$0x3FB0] =	sst s6  }
0xf: {  	[smem:$0x3FB1] =	sst s7  }
0x10: {  	[smem:$0x3FB2] =	sst s8  }
0x11: {  	[smem:$0x3FB3] =	sst s9;
	s0 =	simm.s32 @!p0 $0x0  }
0x12: {  	s1 =	sld [smem:$0x3F99];
	s0 =	simm.s32 @p0 $0x1  }
0x13: {  	[smem:$0x3FB4] =	sst s0;
	s0 =	simm.s32 @!p1 $0x0  }
0x14: {  	s2 =	sld [smem:$0x3F98];
	s0 =	simm.s32 @p1 $0x1  }
0x15: {  	[smem:$0x3FB5] =	sst s0;
	s0 =	simm.s32 @!p2 $0x0  }
0x16: {  	s3 =	sld [smem:$0x3FDB];
	s0 =	simm.s32 @p2 $0x1  }
0x17: {  	s4 =	simm.s32 $0x1BF5;
	[smem:$0x3FB7] =	sst s0  }
0x18: {  	s0 =	sld [smem:$0x3F9A];
	_ =	swait.ge [sflag:s4], $0x0  }
0x19: {  	s7 =	sld [smem:$0x3F9B]  }
0x1a: {  	s8 =	sadd.s32 $0xFFFFE003, lr  }
0x1b: {  	s9 =	sadd.s32 $0xFFFFFEF7, lr;
	s5 =	simm.s32 $0xFFFFFFFF;
	p2 =	slt.u32 s8, $0xFFFFF086  }
0x1c: {  	p1 =	slt.u32 s9, $0xF7A;
	s5 =	simm.s32 @!p2 $0x0  }
0x1d: {  	s5 =	simm.s32 @p1 $0x1;
	p0 =	seq.s32 s7, s2  }
0x1e: {  	s7 =	smul.u32 @!p0 $0xF7A, s2;
	p2 =	seq.s32 @!p0 s5, $0x0  }
0x1f: {  	s9 =	smul.u32 $0xF7A, s1;
	s8 =	simm.s32 @!p0 $0x1BF5;
	p2 =	por !p2, p0  }
0x20: {  	[sflag:s8] =	ssyncset.s32 @!p0 $0xFFFFF086;
	s6 =	sadd.s32 @!p0 s3, s7;
	s7 =	simm.s32 @!p0 $0x108  }
0x21: {  	s3 =	sadd.s32 s3, s9;
	s6 =	sadd.s32 @!p0 $0x88, s6;
	s7 =	simm.s32 @p2 $0x1082  }
0x22: {  	[simem:s7], [sflag:s8] =	dma.local @!p0 [hbm:s6], $0xF7A  }
0x23: {  	s9 =	sor.u32 $0xD0000000, s2;
	s6 =	simm.s32 $0x108;
	_ =	swait.ge @!p0 [sflag:s8], $0x0  }
0x24: {  	s3 =	sadd.s32 $0x88, s3;
	s6 =	simm.s32 @!p1 $0x1082;
	[sflag:s4] =	ssyncset.s32 $0xFFFFF086  }
0x25: {  	[simem:s6], [sflag:s4] =	dma.local [hbm:s3], $0xF7A  }
0x26: {  	[smem:$0x3F9B] =	sst s1;
	(tag) =	ssettag s2;
	_ =	strace s9  }
0x27: {  	s1 =	sld [smem:$0x3FAB]  }
0x28: {  	s2 =	sld [smem:$0x3FAC]  }
0x29: {  	s4 =	sld [smem:$0x3FAE]  }
0x2a: {  	p0 =	seq.s32 s5, $0x0;
	s5 =	sld [smem:$0x3FAF]  }
0x2b: {  	s6 =	sld [smem:$0x3FB0]  }
0x2c: {  	s7 =	sld [smem:$0x3FB1]  }
0x2d: {  	s3 =	simm.s32 $0x108;
	s8 =	sld [smem:$0x3FB2]  }
0x2e: {  	s3 =	simm.s32 @!p0 $0x1082;
	s9 =	sld [smem:$0x3FB3]  }
0x2f: {  	lr =	sadd.s32 s0, s3;
	s0 =	sld [smem:$0x3FAA]  }
0x30: {  	s3 =	sld [smem:$0x3FAD]  }
0x31: {  	[smem:$0x3FB6] =	sst s10  }
0x32: {  	s10 =	sld [smem:$0x3FB4];
	_ =	sdelay $0x3  }
0x33: {  	p0 =	seq.s32 s10, $0x1;
	s10 =	sld [smem:$0x3FB6];
	_ =	sdelay $0x3  }
0x34: {  	[smem:$0x3FB6] =	sst s10  }
0x35: {  	s10 =	sld [smem:$0x3FB5];
	_ =	sdelay $0x3  }
0x36: {  	p1 =	seq.s32 s10, $0x1;
	s10 =	sld [smem:$0x3FB6];
	_ =	sdelay $0x3  }
0x37: {  	[smem:$0x3FB6] =	sst s10  }
0x38: {  	s10 =	sld [smem:$0x3FB7]  }
0x39: {  	_ = 	snop;
	(pc) =	sbr.ind lr, $3  }
0x3a: {  	_ = 	snop  }
0x3b: {  	_ = 	snop  }
0x3c: {  	p2 =	seq.s32 s10, $0x1;
	s10 =	sld [smem:$0x3FB6]  }
0x3d: {  	_ =	shalt  }
0x3e: {  	_ =	shalt  }
0x3f: {  	_ =	shalt  }
0x40: {  	_ =	shalt  }
0x41: {  	_ =	shalt  }
0x42: {  	_ =	shalt  }
0x43: {  	_ =	shalt  }
0x44: {  	_ =	shalt  }
0x45: {  	_ =	shalt  }
0x46: {  	_ =	shalt  }
0x47: {  	_ =	shalt  }
0x48: {  	_ =	shalt  }
0x49: {  	_ =	shalt  }
0x4a: {  	_ =	shalt  }
0x4b: {  	_ =	shalt  }
0x4c: {  	_ =	shalt  }
0x4d: {  	_ =	shalt  }
0x4e: {  	_ =	shalt  }
0x4f: {  	_ =	shalt  }
0x50: {  	_ =	shalt  }
0x51: {  	_ =	shalt  }
0x52: {  	_ =	shalt  }
0x53: {  	_ =	shalt  }
0x54: {  	_ =	shalt  }
0x55: {  	_ =	shalt  }
0x56: {  	_ =	shalt  }
0x57: {  	_ =	shalt  }
0x58: {  	_ =	shalt  }
0x59: {  	_ =	shalt  }
0x5a: {  	_ =	shalt  }
0x5b: {  	_ =	shalt  }
0x5c: {  	_ =	shalt  }
0x5d: {  	_ =	shalt  }
0x5e: {  	_ =	shalt  }
0x5f: {  	_ =	shalt  }
0x60: {  	_ =	shalt  }
0x61: {  	_ =	shalt  }
0x62: {  	_ =	shalt  }
0x63: {  	_ =	shalt  }
0x64: {  	_ =	shalt  }
0x65: {  	_ =	shalt  }
0x66: {  	_ =	shalt  }
0x67: {  	_ =	shalt  }
0x68: {  	_ =	shalt  }
0x69: {  	_ =	shalt  }
0x6a: {  	_ =	shalt  }
0x6b: {  	_ =	shalt  }
0x6c: {  	_ =	shalt  }
0x6d: {  	_ =	shalt  }
0x6e: {  	_ =	shalt  }
0x6f: {  	_ =	shalt  }
0x70: {  	_ =	shalt  }
0x71: {  	_ =	shalt  }
0x72: {  	_ =	shalt  }
0x73: {  	_ =	shalt  }
0x74: {  	_ =	shalt  }
0x75: {  	_ =	shalt  }
0x76: {  	_ =	shalt  }
0x77: {  	_ =	shalt  }
0x78: {  	_ =	shalt  }
0x79: {  	_ =	shalt  }
0x7a: {  	_ =	shalt  }
0x7b: {  	_ =	shalt  }
0x7c: {  	_ =	shalt  }
0x7d: {  	_ =	shalt  }
0x7e: {  	_ =	shalt  }
0x7f: {  	_ =	shalt  }
0x80: {  	_ =	shalt  }
0x81: {  	_ =	shalt  }
0x82: {  	_ =	shalt  }
0x83: {  	_ =	shalt  }
0x84: {  	_ =	shalt  }
0x85: {  	_ =	shalt  }
0x86: {  	_ =	shalt  }
0x87: {  	_ =	shalt  }
.Lfunc_end0:
.L_simem_size_0:
called_computation.1_lowered:
.L_overlay_start_0:
0x88: {  	s2 =	sld [smem:$0x3FD9]  }
0x89: {  	s3 =	sld [smem:$0x3FFE];
	_ =	sdelay $0x1  }
0x8a: {  	s1 =	srdreg.scid  }
0x8b: {  	s0 =	sand.u32 $0x1, s1  }
0x8c: {  	s17 =	sshll.u32 s0, $0xA;
	s2 =	sadd.s32 s3, s2  }
0x8d: {  	s2 =	sadd.s32 s2, s17  }
0x8e: {  	[smem:$0x3FC2] =	sst s2  }
0x8f: {  	_ = 	snop  }
0x90: {  	s2 =	sld [smem:$0x3FD0];
	(tm) =	ssettm $0x1  }
0x91: {  	s18 =	sld [smem:$0x3FFB];
	_ =	sdelay $0x3  }
0x92: {  	_ =	strace s18  }
0x93: {  	s3 =	sld [smem:$0x3FFC];
	_ =	sdelay $0x3  }
0x94: {  	_ =	strace s3  }
0x95: {  	s3 =	sld [smem:$0x3FFD];
	_ =	sdelay $0x3  }
0x96: {  	_ =	strace s3  }
0x97: {  	_ =	strace $0x8FFFFFFF  }
0x98: {  	s19 =	sld [smem:$0x3FDB];
	_ =	sdelay $0x1  }
0x99: {  	s4 =	simm.s32 $_scs_section_size  }
0x9a: {  	s5 =	simm.s32 $_size__tile_overlayer_lowered;
	s6 =	simm.s32 $_tile_overlayer_lowered  }
0x9b: {  	s22 =	simm.s32 $0x1BFF;
	s21 =	sshll.u32 s6, $0x1;
	s3 =	sadd.s32 s4, s19  }
0x9c: {  	s7 =	simm.s32 $0x0;
	s20 =	sshll.u32 s5, $0x1;
	s5 =	sadd.s32 s21, s3  }
0x9d: {  	[timem:s7], [sflag:s22] =	dma.local [hbm:s5], s20  }
0x9e: {  	_ =	swait.ge [sflag:s22], s20  }
0x9f: {  	s4 =	ssub.s32 $0x0, s20;
	[sflag:s22] =	ssyncset.done $0x0  }
0xa0: {  	[sflag:s22] =	ssyncadd.s32 s4;
	_ =	sdelay $0x1  }
0xa1: {  	s23 =	simm.s32 $0x1B8B  }
0xa2: {  	_ =	swait.ge [sflag:s23], $0x1  }
0xa3: {  	[sflag:s23] =	ssyncset.done $0x0  }
0xa4: {  	s25 =	simm.s32 $0x1B8E;
	s24 =	sld [smem:$0x3FFE];
	[sflag:s23] =	ssyncadd.s32 $0xFFFFFFFF  }
0xa5: {  	s26 =	simm.s32 $execute0_lowered;
	[smem:$0x3FD2] =	sst s25  }
0xa6: {  	s5 =	sshll.u32 s26, $0x1;
	_ =	strace $0x80000049;
	[dreg:$0x1] =	wrdreg $0xFFFFFFFF  }
0xa7: {  	s28 =	simm.s32 $_size_execute0_lowered;
	s3 =	sadd.s32 s3, s5;
	[dreg:$0x0] =	wrdreg $0x0  }
0xa8: {  	s5 =	sshll.u32 s28, $0x1;
	[dreg:$0x2] =	wrdreg s3  }
0xa9: {  	[dreg:$0x3] =	wrdreg s5  }
0xaa: {  	[dreg:$0x4] =	wrdreg $0xC0  }
0xab: {  	_ =	task [dreg:s7], $0x5FFFF  }
0xac: {  	[dreg:$0x1] =	wrdreg $0xFFFFFFFF  }
0xad: {  	[dreg:$0x0] =	wrdreg $0x60  }
0xae: {  	[dreg:$0x2] =	wrdreg s2  }
0xaf: {  	[dreg:$0x3] =	wrdreg s24  }
0xb0: {  	[dreg:$0x4] =	wrdreg $0x41000  }
0xb1: {  	[dreg:$0x5] =	wrdreg $0x9  }
0xb2: {  	_ =	task.clear_ibuf [dreg:s7], $0x6FFFF;
	_ =	strace $0x90000049  }
0xb3: {  	s29 =	simm.s32 $0x9;
	_ =	strace $0x8000004B  }
0xb4: {  	_ =	swait.ge [sflag:s29], $0x1  }
0xb5: {  	[sflag:s29] =	ssyncadd.s32 $0xFFFFFFFF  }
0xb6: {  	_ =	strace $0x9000004B  }
0xb7: {  	_ =	sfence  }
0xb8: {  	s30 =	sld [smem:$0x0];
	_ =	sdelay $0x2  }
0xb9: {  	s31 =	sshll.u32 s1, $0xD;
	s1 =	sshrl.u32 s1, $0x2  }
0xba: {  	s3 =	sand.u32 $0x4000, s31;
	s1 =	sadd.s32 s1, s30  }
0xbb: {  	s0 =	sor.u32 s3, s0;
	s1 =	sshll.u32 s1, $0x11  }
0xbc: {  	s0 =	sor.u32 s1, s0  }
0xbd: {  	s0 =	sadd.s32 $0x8F2B, s0  }
0xbe: {  	[sflag:s0] =	ssyncadd.remote.s32 $0x1  }
0xbf: {  	_ =	sfence.sel $0xFFFF  }
0xc0: {  	[dreg:$0x0] =	wrdreg $0xFFFFFFFF;
	(pc) =	sbr.abs _section_cstart, $3  }
0xc1: {  	[dreg:$0x1] =	wrdreg $0xFFFFFFFF  }
0xc2: {  	_ =	task.clear_ibuf [dreg:s7], $0x2FFFF;
	_ =	strace $0x9FFFFFFF  }
0xc3: {  	(tm) =	ssettm $0x7FFFFFFF  }
tec
execute0_lowered:
.L_overlay_start_1:
0x0: {  	(tag) =	ssettag $0x1  }
0x1: {  	s8 =	rddreg [dreg:$0x0]  }
0x2: {  	s6 =	rddreg [dreg:$0x1]  }
0x3: {  	s0 =	srdreg.scid;
	s2 =	stileid.u32  }
0x4: {  	s1 =	rddreg [dreg:$0x2];
	s3 =	simm.s32 $0x0;
	s10 =	smul.u32 $0x14000, s2  }
0x5: {  	s15 =	simm.s32 $0x1;
	s16 =	simm.s32 $0x0;
	s12 =	smul.u32 $0x50000, s2  }
0x6: {  	s5 =	sand.u32 $0x1, s0;
	s0 =	rddreg [dreg:$0x3];
	s14 =	smul.u32 $0x9D0, s2  }
0x7: {  	[smem:$0x7FF] =	sst s3;
	s4 =	sadd.s32 $0x29C00, s6;
	s9 =	smul.u32 $0x9D00, s5  }
0x8: {  	s13 =	sshll.u32 s2, $0x6;
	s7 =	smul.u32 $0x140000, s5;
	s29 =	ssub.s32 $0x2, s5  }
0x9: {  	_ =	strace $0x8000004A;
	s5 =	sadd.s32 $0x1800, s6;
	s30 =	sshrl.u32 s29, $0x1  }
0xa: {  	s12 =	sshrl.u32 s12, $0x2;
	s11 =	sadd.s32 s9, s6;
	s7 =	sadd.s32 s10, s7  }
0xb: {  	s10 =	ssub.s32 s29, s30;
	s12 =	sadd.s32 s12, s1;
	s31 =	sadd.s32 s9, s8  }
0xc: {  	s7 =	sshrl.u32 s7, $0x3;
	s11 =	sadd.s32 s14, s11;
	s8 =	smax.u32 s10, $0x1  }
0xd: {  	s10 =	sadd.s32 s14, s31;
	s14 =	simm.s32 $0x100;
	s7 =	sadd.s32 s7, s6  }
0xe: {  	s6 =	sor.u32 $0x1C02, s13;
	s9 =	sadd.s32 $0x16200, s11;
	s11 =	sshrl.u32 s12, $0x3  }
0xf: {  	s12 =	simm.s32 $0x2;
	s13 =	simm.s32 $0x80;
	s7 =	sadd.s32 $0x77E00, s7  }
.LBB2_1:
0x10: {  	[spmem:s11], [sflag:s6] =	dma.local [hbm:s5], $0x2800  }
0x11: {  	_ =	swait.ge [sflag:s12], $0x2800  }
0x12: {  	[sflag:s12] =	ssyncset.done $0x0  }
0x13: {  	[sflag:s12] =	ssyncadd.s32 $0xFFFFD800  }
0x14: {  	s17 =	sadd.s32 $0x0, s10;
	[bflag:$0x0] =	sbarrier.arrive $0xFFFF  }
0x15: {  	[tilespmem:s3], [sflag:$0x2] =	stream.linear.gather [hbm4b:s17+s3], $0x80, $0x38;
	[tilespmem:$0x18100] =	vst v63  }
0x16: {  	_ =	swait.ge [sflag:s12], $0x80  }
0x17: {  	[sflag:s12] =	ssyncset.done $0x0  }
0x18: {  	s31 =	sadd.s32 $0x0, s9;
	[sflag:s12] =	ssyncadd.s32 $0xFFFFFF80  }
0x19: {  	[tilespmem:s13], [sflag:$0x2] =	stream.linear.gather [hbm4b:s31+s3], $0x80, $0x38;
	[tilespmem:$0x18100] =	vst v63  }
0x1a: {  	_ =	swait.ge [sflag:s12], $0x80  }
0x1b: {  	[sflag:s12] =	ssyncset.done $0x0  }
0x1c: {  	[sflag:s12] =	ssyncadd.s32 $0xFFFFFF80  }
0x1d: {  	[tilespmem:s14], [sflag:$0x1] =	stream.indirect.gather [hbm4b:s4+s13], $0x80, s3, s13, $0xb8;
	[tilespmem:$0x18100] =	vst v63  }
0x1e: {  	_ =	swait.ge [sflag:s15], $0x4000  }
0x1f: {  	[sflag:s15] =	ssyncset.done $0x0  }
0x20: {  	[sflag:s15] =	ssyncadd.s32 $0xFFFFC000  }
0x21: {  	[spmem:s1] =	stream.indirect.scatter.add.f32 [tilespmem:s14], [sflag:$0x2], $0x80, s13, s13, $0xb8;
	[tilespmem:$0x18100] =	vst v63  }
0x22: {  	_ =	swait.ge [sflag:s12], $0x4000  }
0x23: {  	s18 =	simm.s32 $0x20;
	s17 =	simm.s32 $0x10;
	[sflag:s12] =	ssyncset.done $0x0  }
.LBB2_2:
0x24: {  	s19 =	sadd.s32 s17, s10  }
0x25: {  	[sflag:s12] =	ssyncadd.s32 $0xFFFFC000;
	s20 =	smov.u32 s18;
	s21 =	sadd.s32 $0x10, s18  }
0x26: {  	[tilespmem:s3], [sflag:$0x2] =	stream.linear.gather [hbm4b:s19+s3], $0x80, $0x38;
	[tilespmem:$0x18100] =	vst v63  }
0x27: {  	p0 =	sne.s32 s18, $0x9C0;
	_ =	swait.ge [sflag:s12], $0x80  }
0x28: {  	[sflag:s12] =	ssyncset.done $0x0  }
0x29: {  	s18 =	sadd.s32 s17, s9;
	s17 =	smov.u32 s20;
	[sflag:s12] =	ssyncadd.s32 $0xFFFFFF80  }
0x2a: {  	[tilespmem:s13], [sflag:$0x2] =	stream.linear.gather [hbm4b:s18+s3], $0x80, $0x38;
	[tilespmem:$0x18100] =	vst v63  }
0x2b: {  	_ =	swait.ge [sflag:s12], $0x80  }
0x2c: {  	[sflag:s12] =	ssyncset.done $0x0  }
0x2d: {  	[sflag:s12] =	ssyncadd.s32 $0xFFFFFF80  }
0x2e: {  	[tilespmem:s14], [sflag:$0x1] =	stream.indirect.gather [hbm4b:s4+s13], $0x80, s3, s13, $0xb8;
	[tilespmem:$0x18100] =	vst v63  }
0x2f: {  	_ =	swait.ge [sflag:s15], $0x4000  }
.Ltmp0:
0x30: {  	[sflag:s15] =	ssyncset.done $0x0;
	(pc) =	sbr.rel @p0 .LBB2_2-.Ltmp0, $4  }
0x31: {  	[sflag:s15] =	ssyncadd.s32 $0xFFFFC000  }
0x32: {  	[spmem:s1] =	stream.indirect.scatter.add.f32 [tilespmem:s14], [sflag:$0x2], $0x80, s13, s13, $0xb8;
	[tilespmem:$0x18100] =	vst v63  }
0x33: {  	_ =	swait.ge [sflag:s12], $0x4000  }
0x34: {  	s18 =	smov.u32 s21;
	[sflag:s12] =	ssyncset.done $0x0  }
0x35: {  	s18 =	sadd.s32 s17, s10;
	[sflag:s12] =	ssyncadd.s32 $0xFFFFC000  }
0x36: {  	[tilespmem:s3], [sflag:$0x2] =	stream.linear.gather [hbm4b:s18+s3], $0x80, $0x38;
	[tilespmem:$0x18100] =	vst v63  }
0x37: {  	_ =	swait.ge [sflag:s12], $0x80  }
0x38: {  	[sflag:s12] =	ssyncset.done $0x0  }
0x39: {  	s31 =	sadd.s32 s17, s9;
	[sflag:s12] =	ssyncadd.s32 $0xFFFFFF80  }
0x3a: {  	[tilespmem:s13], [sflag:$0x2] =	stream.linear.gather [hbm4b:s31+s3], $0x80, $0x38;
	[tilespmem:$0x18100] =	vst v63  }
0x3b: {  	_ =	swait.ge [sflag:s12], $0x80  }
0x3c: {  	[sflag:s12] =	ssyncset.done $0x0  }
0x3d: {  	[sflag:s12] =	ssyncadd.s32 $0xFFFFFF80  }
0x3e: {  	[tilespmem:s14], [sflag:$0x1] =	stream.indirect.gather [hbm4b:s4+s13], $0x80, s3, s13, $0xb8;
	[tilespmem:$0x18100] =	vst v63  }
0x3f: {  	_ =	swait.ge [sflag:s15], $0x4000  }
0x40: {  	[sflag:s15] =	ssyncset.done $0x0  }
0x41: {  	[sflag:s15] =	ssyncadd.s32 $0xFFFFC000  }
0x42: {  	[spmem:s1] =	stream.indirect.scatter.add.f32 [tilespmem:s14], [sflag:$0x2], $0x80, s13, s13, $0xb8;
	[tilespmem:$0x18100] =	vst v63  }
0x43: {  	_ =	swait.ge [sflag:s12], $0x4000  }
0x44: {  	s16 =	sadd.s32 $0x1, s16;
	[sflag:s12] =	ssyncset.done $0x0  }
0x45: {  	p0 =	sne.s32 s16, s8;
	[sflag:s12] =	ssyncadd.s32 $0xFFFFC000  }
.Ltmp1:
0x46: {  	[bflag:$0x0] =	sbarrier.arrive $0xFFFF;
	(pc) =	sbr.rel @p0 .LBB2_1-.Ltmp1, $4  }
0x47: {  	[hbm:s7], [sflag:s6] =	dma.local [spmem:s11], $0x2800  }
0x48: {  	_ =	swait.ge [sflag:s12], $0x2800  }
0x49: {  	[sflag:s12] =	ssyncset.done $0x0  }
0x4a: {  	[sflag:s12] =	ssyncadd.s32 $0xFFFFD800  }
0x4b: {  	_ =	sfence.sel $0x180000  }
0x4c: {  	[bflag:$0x0] =	sbarrier.arrive $0xFFFF  }
0x4d: {  	p0 =	sne.s32 s2, $0x0;
	_ =	strace $0x9000004A  }
0x4e: {  	s0 =	sadd.s32 @!p0 $0x100000, s0;
	[bflag:$0x2] =	sbarrier.arrive $0xFFFF  }
0x4f: {  	[sflag:s0] =	ssyncadd.tile.s32 @!p0 $0x1;
	_ =	shalt  }
.Lfunc_end2:
_tile_overlayer_lowered:
.L_overlay_start_2:
0x50: {  	(tag) =	ssettag $0x2  }
0x51: {  	s0 =	rddreg [dreg:$0x0];
	s2 =	stileid.u32  }
0x52: {  	s1 =	rddreg [dreg:$0x1];
	p0 =	sne.s32 s2, $0x0  }
0x53: {  	s3 =	rddreg [dreg:$0x2];
	[bflag:$0x3] =	sbarrier.arrive $0xFFFF;
	s2 =	simm.s32 @!p0 $0x1C02  }
0x54: {  	[timem:s3], [sflag:s2] =	dma.local @!p0 [hbm:s0], s1  }
0x55: {  	s0 =	simm.s32 @!p0 $0x2  }
0x56: {  	_ =	swait.ge @!p0 [sflag:s0], s1  }
0x57: {  	s1 =	ssub.s32 @!p0 $0x0, s1;
	[sflag:s0] =	ssyncset.done @!p0 $0x0  }
0x58: {  	[sflag:s0] =	ssyncadd.s32 @!p0 s1  }
0x59: {  	[bflag:$0x3] =	sbarrier.arrive $0xFFFF  }
0x5a: {  	_ =	shalt  }

</sc_bundles>
